<compile_context>
chip_gen: v7x
topology: tpu7x:2x2x1
jax: 0.10.2.dev20260603
libtpu: 0.0.44.dev20260713+nightly
codegen_flags: <defaults>
</compile_context>

<pallas_src>
import functools

import jax
import jax.numpy as jnp
from jax import lax
from jax.experimental import pallas as pl
from jax.experimental.pallas import tpu as pltpu
from jax.experimental.pallas import tpu_sc as plsc

EMBED = 256
CODES = 400

N_TOKENS = 32 * 576
NC, NS = 2, 16
NW = NC * NS
BPW = N_TOKENS // NW
CH = 96
NCH = BPW // CH


def _argmin_block(x_ref, e_ref, esq_ref, out_ref):
    x = x_ref[...]
    e = e_ref[...]
    d = esq_ref[...] - 2.0 * jax.lax.dot_general(
        x, e, (((1,), (1,)), ((), ())), preferred_element_type=jnp.float32)
    m = jnp.min(d, axis=1, keepdims=True)
    col = lax.broadcasted_iota(jnp.int32, d.shape, 1)
    idx = jnp.min(jnp.where(d <= m, col, CODES), axis=1)
    out_ref[...] = idx[:, None]


def _tc_indices(flat, embeddings):
    e_sq = jnp.sum(embeddings * embeddings, axis=1)[None, :]
    n = flat.shape[0]
    blk = 1152
    idx = pl.pallas_call(
        _argmin_block,
        grid=(n // blk,),
        in_specs=[
            pl.BlockSpec((blk, EMBED), lambda i: (i, 0)),
            pl.BlockSpec((CODES, EMBED), lambda i: (0, 0)),
            pl.BlockSpec((1, CODES), lambda i: (0, 0)),
        ],
        out_specs=pl.BlockSpec((blk, 1), lambda i: (i, 0)),
        out_shape=jax.ShapeDtypeStruct((n, 1), jnp.int32),
    )(flat, embeddings, e_sq)
    return idx.reshape(n)


def _sc_gather_body(table_hbm, idx_hbm, out_hbm, idx_v, buf0, buf1, sem0, sem1):
    wid = lax.axis_index("s") * NC + lax.axis_index("c")
    base = wid * BPW
    pltpu.sync_copy(idx_hbm.at[wid], idx_v)
    bufs = (buf0, buf1)
    sems = (sem0, sem1)
    copies = [None, None]
    copies[0] = pltpu.async_copy(table_hbm.at[idx_v.at[0]], bufs[0], sems[0])
    for c in range(NCH):
        nxt = c + 1
        if nxt < NCH:
            copies[nxt % 2] = pltpu.async_copy(
                table_hbm.at[idx_v.at[nxt]], bufs[nxt % 2], sems[nxt % 2])
        copies[c % 2].wait()
        pltpu.sync_copy(bufs[c % 2], out_hbm.at[pl.ds(base + c * CH, CH)])


def _sc_gather():
    return pl.kernel(
        _sc_gather_body,
        out_type=jax.ShapeDtypeStruct((N_TOKENS, EMBED), jnp.float32),
        mesh=plsc.VectorSubcoreMesh(core_axis_name="c", subcore_axis_name="s"),
        scratch_types=[
            pltpu.VMEM((NCH, CH), jnp.int32),
            pltpu.VMEM((CH, EMBED), jnp.float32),
            pltpu.VMEM((CH, EMBED), jnp.float32),
            pltpu.SemaphoreType.DMA,
            pltpu.SemaphoreType.DMA,
        ],
    )


def kernel(x, embeddings):
    flat = x.reshape(-1, EMBED)
    idx = _tc_indices(flat, embeddings)
    q = _sc_gather()(embeddings, idx.reshape(NW, NCH, CH))
    return q.reshape(x.shape)

# --- scband reference (transcript-rebuilt; emitter-appended) ---
"""Pipeline reference for scband-vector-quantizer-ema-343597384065 (READ-ONLY COPY).

The authoritative reference and input builder live on the scoring server;
editing this copy changes nothing except your own understanding.
"""

import jax, jax.numpy as jnp
import numpy as np

EMBED_DIM = 256
NUM_EMBEDDINGS = 400


def setup_inputs(seed: int = 0) -> dict:
    key = jax.random.key(seed)
    k1, k2 = jax.random.split(key)
    x = jax.random.normal(k1, (32, 576, EMBED_DIM), dtype=jnp.float32)
    # xavier_uniform init for embeddings of shape (400, 256)
    bound = float(np.sqrt(6.0 / (NUM_EMBEDDINGS + EMBED_DIM)))
    embeddings = jax.random.uniform(k2, (NUM_EMBEDDINGS, EMBED_DIM), minval=-bound, maxval=bound, dtype=jnp.float32)
    return {"x": x, "embeddings": embeddings}


def reference(x, embeddings):
    # train_vqvae is False in the source module, so forward returns only the quantized tensor
    flat_x = x.reshape(-1, EMBED_DIM)
    distances = (jnp.sum(flat_x ** 2, axis=1, keepdims=True)
                 + jnp.sum(embeddings ** 2, axis=1)
                 - 2.0 * jnp.matmul(flat_x, embeddings.T))
    encoding_indices = jnp.argmin(distances, axis=1)
    quantized = jnp.take(embeddings, encoding_indices, axis=0)
    quantized = quantized.reshape(x.shape)
    return quantized

if __name__ == "__main__":
    import jax
    _d = setup_inputs()
    print(jax.jit(kernel)(*tuple(_d.values())))

</pallas_src>

<mosaic_0001>
#map = affine_map<(d0, d1) -> (0, 0)>
#map1 = affine_map<(d0, d1) -> (0, 0, 0)>
module attributes {stable_mosaic.version = 14 : i64} {
  func.func @_sc_gather_body(%arg0: i32, %arg1: i32, %arg2: memref<400x256xf32, #tpu.memory_space<hbm>>, %arg3: memref<32x6x96xi32, #tpu.memory_space<hbm>>, %arg4: memref<18432x256xf32, #tpu.memory_space<hbm>>, %arg5: memref<6x96xi32, #tpu.memory_space<vmem>>, %arg6: memref<96x256xf32, #tpu.memory_space<vmem>>, %arg7: memref<96x256xf32, #tpu.memory_space<vmem>>, %arg8: memref<!tpu.dma_semaphore, #tpu.memory_space<semaphore_mem>>, %arg9: memref<!tpu.dma_semaphore, #tpu.memory_space<semaphore_mem>>) attributes {dimension_semantics = [#tpu.dimension_semantics<core_parallel>, #tpu.dimension_semantics<subcore_parallel>], iteration_bounds = array<i64: 2, 16>, scalar_prefetch = 0 : i64, scratch_operands = 5 : i64, tpu.core_type = #tpu.core_type<sc_vector_subcore>, window_params = [{transform_indices = #map}, {transform_indices = #map1}, {transform_indices = #map}]} {
    %mul3A = arith.constant 2 : i32
    %mul3A_0 = arith.muli %arg1, %mul3A : i32
    %add3A = arith.addi %mul3A_0, %arg0 : i32
    %mul3A_1 = arith.constant 576 : i32
    %mul3A_2 = arith.muli %add3A, %mul3A_1 : i32
    "tpu.region"() ({
      %run_scoped3A = tpu.sem_alloc : memref<!tpu.dma_semaphore, #tpu.memory_space<semaphore_mem>>
      %dma_start3A_97 = arith.constant 0 : i32
      %dma_start3A_98 = arith.constant 0 : i32
      %dma_start3A_99 = tpu.memref_slice %arg3[%add3A, %dma_start3A_97, %dma_start3A_98] : memref<32x6x96xi32, #tpu.memory_space<hbm>> -> memref<1x6x96xi32, #tpu.memory_space<hbm>>
      %dma_start3A_100 = tpu.memref_squeeze %dma_start3A_99 : memref<1x6x96xi32, #tpu.memory_space<hbm>> -> memref<6x96xi32, #tpu.memory_space<hbm>>
      %dma_start3A_101 = arith.constant 0 : i32
      %dma_start3A_102 = arith.constant 0 : i32
      %dma_start3A_103 = tpu.memref_slice %arg3[%add3A, %dma_start3A_101, %dma_start3A_102] : memref<32x6x96xi32, #tpu.memory_space<hbm>> -> memref<1x6x96xi32, #tpu.memory_space<hbm>>
      %dma_start3A_104 = tpu.memref_squeeze %dma_start3A_103 : memref<1x6x96xi32, #tpu.memory_space<hbm>> -> memref<6x96xi32, #tpu.memory_space<hbm>>
      tpu.enqueue_dma source(%dma_start3A_104 : memref<6x96xi32, #tpu.memory_space<hbm>>) target(%arg5 : memref<6x96xi32, #tpu.memory_space<vmem>>) target_semaphore(%run_scoped3A : memref<!tpu.dma_semaphore, #tpu.memory_space<semaphore_mem>>)
      %dma_wait3A_105 = arith.constant 0 : i32
      %dma_wait3A_106 = arith.constant 0 : i32
      %dma_wait3A_107 = tpu.memref_slice %arg3[%add3A, %dma_wait3A_105, %dma_wait3A_106] : memref<32x6x96xi32, #tpu.memory_space<hbm>> -> memref<1x6x96xi32, #tpu.memory_space<hbm>>
      %dma_wait3A_108 = tpu.memref_squeeze %dma_wait3A_107 : memref<1x6x96xi32, #tpu.memory_space<hbm>> -> memref<6x96xi32, #tpu.memory_space<hbm>>
      %dma_wait3A_109 = arith.constant 0 : i32
      %dma_wait3A_110 = arith.constant 0 : i32
      %dma_wait3A_111 = tpu.memref_slice %arg3[%add3A, %dma_wait3A_109, %dma_wait3A_110] : memref<32x6x96xi32, #tpu.memory_space<hbm>> -> memref<1x6x96xi32, #tpu.memory_space<hbm>>
      %dma_wait3A_112 = tpu.memref_squeeze %dma_wait3A_111 : memref<1x6x96xi32, #tpu.memory_space<hbm>> -> memref<6x96xi32, #tpu.memory_space<hbm>>
      tpu.wait_dma2 semaphore(%run_scoped3A : memref<!tpu.dma_semaphore, #tpu.memory_space<semaphore_mem>>) src(%dma_wait3A_112 : memref<6x96xi32, #tpu.memory_space<hbm>>) dst(%arg5 : memref<6x96xi32, #tpu.memory_space<vmem>>)
      tpu.yield
    }) : () -> ()
    %dma_start3A = arith.constant 0 : i32
    %dma_start3A_3 = arith.constant 0 : i32
    %dma_start3A_4 = tpu.memref_slice %arg5[%dma_start3A, %dma_start3A_3] : memref<6x96xi32, #tpu.memory_space<vmem>> -> memref<1x96xi32, #tpu.memory_space<vmem>>
    %dma_start3A_5 = tpu.memref_squeeze %dma_start3A_4 : memref<1x96xi32, #tpu.memory_space<vmem>> -> memref<96xi32, #tpu.memory_space<vmem>>
    %dma_start3A_6 = arith.constant 0 : i32
    %dma_start3A_7 = arith.constant 0 : i32
    %dma_start3A_8 = tpu.memref_slice %arg2[%dma_start3A_6, %dma_start3A_7] : memref<400x256xf32, #tpu.memory_space<hbm>> -> memref<400x256xf32, #tpu.memory_space<hbm>>
    tpu.enqueue_indirect_dma source(%dma_start3A_8 : memref<400x256xf32, #tpu.memory_space<hbm>>) target(%arg6 : memref<96x256xf32, #tpu.memory_space<vmem>>) offsets(%dma_start3A_5 : memref<96xi32, #tpu.memory_space<vmem>>) semaphore(%arg8 : memref<!tpu.dma_semaphore, #tpu.memory_space<semaphore_mem>>)
    %dma_start3A_9 = arith.constant 1 : i32
    %dma_start3A_10 = arith.constant 0 : i32
    %dma_start3A_11 = tpu.memref_slice %arg5[%dma_start3A_9, %dma_start3A_10] : memref<6x96xi32, #tpu.memory_space<vmem>> -> memref<1x96xi32, #tpu.memory_space<vmem>>
    %dma_start3A_12 = tpu.memref_squeeze %dma_start3A_11 : memref<1x96xi32, #tpu.memory_space<vmem>> -> memref<96xi32, #tpu.memory_space<vmem>>
    %dma_start3A_13 = arith.constant 0 : i32
    %dma_start3A_14 = arith.constant 0 : i32
    %dma_start3A_15 = tpu.memref_slice %arg2[%dma_start3A_13, %dma_start3A_14] : memref<400x256xf32, #tpu.memory_space<hbm>> -> memref<400x256xf32, #tpu.memory_space<hbm>>
    tpu.enqueue_indirect_dma source(%dma_start3A_15 : memref<400x256xf32, #tpu.memory_space<hbm>>) target(%arg7 : memref<96x256xf32, #tpu.memory_space<vmem>>) offsets(%dma_start3A_12 : memref<96xi32, #tpu.memory_space<vmem>>) semaphore(%arg9 : memref<!tpu.dma_semaphore, #tpu.memory_space<semaphore_mem>>)
    %dma_wait3A = arith.constant 0 : i32
    %dma_wait3A_16 = arith.constant 0 : i32
    %dma_wait3A_17 = tpu.memref_slice %arg5[%dma_wait3A, %dma_wait3A_16] : memref<6x96xi32, #tpu.memory_space<vmem>> -> memref<1x96xi32, #tpu.memory_space<vmem>>
    %dma_wait3A_18 = tpu.memref_squeeze %dma_wait3A_17 : memref<1x96xi32, #tpu.memory_space<vmem>> -> memref<96xi32, #tpu.memory_space<vmem>>
    %dma_wait3A_19 = arith.constant 0 : i32
    %dma_wait3A_20 = arith.constant 0 : i32
    %dma_wait3A_21 = tpu.memref_slice %arg2[%dma_wait3A_19, %dma_wait3A_20] : memref<400x256xf32, #tpu.memory_space<hbm>> -> memref<400x256xf32, #tpu.memory_space<hbm>>
    tpu.wait_indirect_dma semaphore(%arg8 : memref<!tpu.dma_semaphore, #tpu.memory_space<semaphore_mem>>) src(%dma_wait3A_21 : memref<400x256xf32, #tpu.memory_space<hbm>>) dst(%arg6 : memref<96x256xf32, #tpu.memory_space<vmem>>)
    %add3A_22 = arith.constant 0 : i32
    %add3A_23 = arith.addi %mul3A_2, %add3A_22 : i32
    "tpu.region"() ({
      %run_scoped3A = tpu.sem_alloc : memref<!tpu.dma_semaphore, #tpu.memory_space<semaphore_mem>>
      %dma_start3A_97 = arith.constant 0 : i32
      %dma_start3A_98 = tpu.memref_slice %arg4[%add3A_23, %dma_start3A_97] : memref<18432x256xf32, #tpu.memory_space<hbm>> -> memref<96x256xf32, #tpu.memory_space<hbm>>
      %dma_start3A_99 = arith.constant 0 : i32
      %dma_start3A_100 = tpu.memref_slice %arg4[%add3A_23, %dma_start3A_99] : memref<18432x256xf32, #tpu.memory_space<hbm>> -> memref<96x256xf32, #tpu.memory_space<hbm>>
      tpu.enqueue_dma source(%arg6 : memref<96x256xf32, #tpu.memory_space<vmem>>) target(%dma_start3A_100 : memref<96x256xf32, #tpu.memory_space<hbm>>) target_semaphore(%run_scoped3A : memref<!tpu.dma_semaphore, #tpu.memory_space<semaphore_mem>>)
      %dma_wait3A_101 = arith.constant 0 : i32
      %dma_wait3A_102 = tpu.memref_slice %arg4[%add3A_23, %dma_wait3A_101] : memref<18432x256xf32, #tpu.memory_space<hbm>> -> memref<96x256xf32, #tpu.memory_space<hbm>>
      %dma_wait3A_103 = arith.constant 0 : i32
      %dma_wait3A_104 = tpu.memref_slice %arg4[%add3A_23, %dma_wait3A_103] : memref<18432x256xf32, #tpu.memory_space<hbm>> -> memref<96x256xf32, #tpu.memory_space<hbm>>
      tpu.wait_dma2 semaphore(%run_scoped3A : memref<!tpu.dma_semaphore, #tpu.memory_space<semaphore_mem>>) src(%arg6 : memref<96x256xf32, #tpu.memory_space<vmem>>) dst(%dma_wait3A_104 : memref<96x256xf32, #tpu.memory_space<hbm>>)
      tpu.yield
    }) : () -> ()
    %dma_start3A_24 = arith.constant 2 : i32
    %dma_start3A_25 = arith.constant 0 : i32
    %dma_start3A_26 = tpu.memref_slice %arg5[%dma_start3A_24, %dma_start3A_25] : memref<6x96xi32, #tpu.memory_space<vmem>> -> memref<1x96xi32, #tpu.memory_space<vmem>>
    %dma_start3A_27 = tpu.memref_squeeze %dma_start3A_26 : memref<1x96xi32, #tpu.memory_space<vmem>> -> memref<96xi32, #tpu.memory_space<vmem>>
    %dma_start3A_28 = arith.constant 0 : i32
    %dma_start3A_29 = arith.constant 0 : i32
    %dma_start3A_30 = tpu.memref_slice %arg2[%dma_start3A_28, %dma_start3A_29] : memref<400x256xf32, #tpu.memory_space<hbm>> -> memref<400x256xf32, #tpu.memory_space<hbm>>
    tpu.enqueue_indirect_dma source(%dma_start3A_30 : memref<400x256xf32, #tpu.memory_space<hbm>>) target(%arg6 : memref<96x256xf32, #tpu.memory_space<vmem>>) offsets(%dma_start3A_27 : memref<96xi32, #tpu.memory_space<vmem>>) semaphore(%arg8 : memref<!tpu.dma_semaphore, #tpu.memory_space<semaphore_mem>>)
    %dma_wait3A_31 = arith.constant 1 : i32
    %dma_wait3A_32 = arith.constant 0 : i32
    %dma_wait3A_33 = tpu.memref_slice %arg5[%dma_wait3A_31, %dma_wait3A_32] : memref<6x96xi32, #tpu.memory_space<vmem>> -> memref<1x96xi32, #tpu.memory_space<vmem>>
    %dma_wait3A_34 = tpu.memref_squeeze %dma_wait3A_33 : memref<1x96xi32, #tpu.memory_space<vmem>> -> memref<96xi32, #tpu.memory_space<vmem>>
    %dma_wait3A_35 = arith.constant 0 : i32
    %dma_wait3A_36 = arith.constant 0 : i32
    %dma_wait3A_37 = tpu.memref_slice %arg2[%dma_wait3A_35, %dma_wait3A_36] : memref<400x256xf32, #tpu.memory_space<hbm>> -> memref<400x256xf32, #tpu.memory_space<hbm>>
    tpu.wait_indirect_dma semaphore(%arg9 : memref<!tpu.dma_semaphore, #tpu.memory_space<semaphore_mem>>) src(%dma_wait3A_37 : memref<400x256xf32, #tpu.memory_space<hbm>>) dst(%arg7 : memref<96x256xf32, #tpu.memory_space<vmem>>)
    %add3A_38 = arith.constant 96 : i32
    %add3A_39 = arith.addi %mul3A_2, %add3A_38 : i32
    "tpu.region"() ({
      %run_scoped3A = tpu.sem_alloc : memref<!tpu.dma_semaphore, #tpu.memory_space<semaphore_mem>>
      %dma_start3A_97 = arith.constant 0 : i32
      %dma_start3A_98 = tpu.memref_slice %arg4[%add3A_39, %dma_start3A_97] : memref<18432x256xf32, #tpu.memory_space<hbm>> -> memref<96x256xf32, #tpu.memory_space<hbm>>
      %dma_start3A_99 = arith.constant 0 : i32
      %dma_start3A_100 = tpu.memref_slice %arg4[%add3A_39, %dma_start3A_99] : memref<18432x256xf32, #tpu.memory_space<hbm>> -> memref<96x256xf32, #tpu.memory_space<hbm>>
      tpu.enqueue_dma source(%arg7 : memref<96x256xf32, #tpu.memory_space<vmem>>) target(%dma_start3A_100 : memref<96x256xf32, #tpu.memory_space<hbm>>) target_semaphore(%run_scoped3A : memref<!tpu.dma_semaphore, #tpu.memory_space<semaphore_mem>>)
      %dma_wait3A_101 = arith.constant 0 : i32
      %dma_wait3A_102 = tpu.memref_slice %arg4[%add3A_39, %dma_wait3A_101] : memref<18432x256xf32, #tpu.memory_space<hbm>> -> memref<96x256xf32, #tpu.memory_space<hbm>>
      %dma_wait3A_103 = arith.constant 0 : i32
      %dma_wait3A_104 = tpu.memref_slice %arg4[%add3A_39, %dma_wait3A_103] : memref<18432x256xf32, #tpu.memory_space<hbm>> -> memref<96x256xf32, #tpu.memory_space<hbm>>
      tpu.wait_dma2 semaphore(%run_scoped3A : memref<!tpu.dma_semaphore, #tpu.memory_space<semaphore_mem>>) src(%arg7 : memref<96x256xf32, #tpu.memory_space<vmem>>) dst(%dma_wait3A_104 : memref<96x256xf32, #tpu.memory_space<hbm>>)
      tpu.yield
    }) : () -> ()
    %dma_start3A_40 = arith.constant 3 : i32
    %dma_start3A_41 = arith.constant 0 : i32
    %dma_start3A_42 = tpu.memref_slice %arg5[%dma_start3A_40, %dma_start3A_41] : memref<6x96xi32, #tpu.memory_space<vmem>> -> memref<1x96xi32, #tpu.memory_space<vmem>>
    %dma_start3A_43 = tpu.memref_squeeze %dma_start3A_42 : memref<1x96xi32, #tpu.memory_space<vmem>> -> memref<96xi32, #tpu.memory_space<vmem>>
    %dma_start3A_44 = arith.constant 0 : i32
    %dma_start3A_45 = arith.constant 0 : i32
    %dma_start3A_46 = tpu.memref_slice %arg2[%dma_start3A_44, %dma_start3A_45] : memref<400x256xf32, #tpu.memory_space<hbm>> -> memref<400x256xf32, #tpu.memory_space<hbm>>
    tpu.enqueue_indirect_dma source(%dma_start3A_46 : memref<400x256xf32, #tpu.memory_space<hbm>>) target(%arg7 : memref<96x256xf32, #tpu.memory_space<vmem>>) offsets(%dma_start3A_43 : memref<96xi32, #tpu.memory_space<vmem>>) semaphore(%arg9 : memref<!tpu.dma_semaphore, #tpu.memory_space<semaphore_mem>>)
    %dma_wait3A_47 = arith.constant 2 : i32
    %dma_wait3A_48 = arith.constant 0 : i32
    %dma_wait3A_49 = tpu.memref_slice %arg5[%dma_wait3A_47, %dma_wait3A_48] : memref<6x96xi32, #tpu.memory_space<vmem>> -> memref<1x96xi32, #tpu.memory_space<vmem>>
    %dma_wait3A_50 = tpu.memref_squeeze %dma_wait3A_49 : memref<1x96xi32, #tpu.memory_space<vmem>> -> memref<96xi32, #tpu.memory_space<vmem>>
    %dma_wait3A_51 = arith.constant 0 : i32
    %dma_wait3A_52 = arith.constant 0 : i32
    %dma_wait3A_53 = tpu.memref_slice %arg2[%dma_wait3A_51, %dma_wait3A_52] : memref<400x256xf32, #tpu.memory_space<hbm>> -> memref<400x256xf32, #tpu.memory_space<hbm>>
    tpu.wait_indirect_dma semaphore(%arg8 : memref<!tpu.dma_semaphore, #tpu.memory_space<semaphore_mem>>) src(%dma_wait3A_53 : memref<400x256xf32, #tpu.memory_space<hbm>>) dst(%arg6 : memref<96x256xf32, #tpu.memory_space<vmem>>)
    %add3A_54 = arith.constant 192 : i32
    %add3A_55 = arith.addi %mul3A_2, %add3A_54 : i32
    "tpu.region"() ({
      %run_scoped3A = tpu.sem_alloc : memref<!tpu.dma_semaphore, #tpu.memory_space<semaphore_mem>>
      %dma_start3A_97 = arith.constant 0 : i32
      %dma_start3A_98 = tpu.memref_slice %arg4[%add3A_55, %dma_start3A_97] : memref<18432x256xf32, #tpu.memory_space<hbm>> -> memref<96x256xf32, #tpu.memory_space<hbm>>
      %dma_start3A_99 = arith.constant 0 : i32
      %dma_start3A_100 = tpu.memref_slice %arg4[%add3A_55, %dma_start3A_99] : memref<18432x256xf32, #tpu.memory_space<hbm>> -> memref<96x256xf32, #tpu.memory_space<hbm>>
      tpu.enqueue_dma source(%arg6 : memref<96x256xf32, #tpu.memory_space<vmem>>) target(%dma_start3A_100 : memref<96x256xf32, #tpu.memory_space<hbm>>) target_semaphore(%run_scoped3A : memref<!tpu.dma_semaphore, #tpu.memory_space<semaphore_mem>>)
      %dma_wait3A_101 = arith.constant 0 : i32
      %dma_wait3A_102 = tpu.memref_slice %arg4[%add3A_55, %dma_wait3A_101] : memref<18432x256xf32, #tpu.memory_space<hbm>> -> memref<96x256xf32, #tpu.memory_space<hbm>>
      %dma_wait3A_103 = arith.constant 0 : i32
      %dma_wait3A_104 = tpu.memref_slice %arg4[%add3A_55, %dma_wait3A_103] : memref<18432x256xf32, #tpu.memory_space<hbm>> -> memref<96x256xf32, #tpu.memory_space<hbm>>
      tpu.wait_dma2 semaphore(%run_scoped3A : memref<!tpu.dma_semaphore, #tpu.memory_space<semaphore_mem>>) src(%arg6 : memref<96x256xf32, #tpu.memory_space<vmem>>) dst(%dma_wait3A_104 : memref<96x256xf32, #tpu.memory_space<hbm>>)
      tpu.yield
    }) : () -> ()
    %dma_start3A_56 = arith.constant 4 : i32
    %dma_start3A_57 = arith.constant 0 : i32
    %dma_start3A_58 = tpu.memref_slice %arg5[%dma_start3A_56, %dma_start3A_57] : memref<6x96xi32, #tpu.memory_space<vmem>> -> memref<1x96xi32, #tpu.memory_space<vmem>>
    %dma_start3A_59 = tpu.memref_squeeze %dma_start3A_58 : memref<1x96xi32, #tpu.memory_space<vmem>> -> memref<96xi32, #tpu.memory_space<vmem>>
    %dma_start3A_60 = arith.constant 0 : i32
    %dma_start3A_61 = arith.constant 0 : i32
    %dma_start3A_62 = tpu.memref_slice %arg2[%dma_start3A_60, %dma_start3A_61] : memref<400x256xf32, #tpu.memory_space<hbm>> -> memref<400x256xf32, #tpu.memory_space<hbm>>
    tpu.enqueue_indirect_dma source(%dma_start3A_62 : memref<400x256xf32, #tpu.memory_space<hbm>>) target(%arg6 : memref<96x256xf32, #tpu.memory_space<vmem>>) offsets(%dma_start3A_59 : memref<96xi32, #tpu.memory_space<vmem>>) semaphore(%arg8 : memref<!tpu.dma_semaphore, #tpu.memory_space<semaphore_mem>>)
    %dma_wait3A_63 = arith.constant 3 : i32
    %dma_wait3A_64 = arith.constant 0 : i32
    %dma_wait3A_65 = tpu.memref_slice %arg5[%dma_wait3A_63, %dma_wait3A_64] : memref<6x96xi32, #tpu.memory_space<vmem>> -> memref<1x96xi32, #tpu.memory_space<vmem>>
    %dma_wait3A_66 = tpu.memref_squeeze %dma_wait3A_65 : memref<1x96xi32, #tpu.memory_space<vmem>> -> memref<96xi32, #tpu.memory_space<vmem>>
    %dma_wait3A_67 = arith.constant 0 : i32
    %dma_wait3A_68 = arith.constant 0 : i32
    %dma_wait3A_69 = tpu.memref_slice %arg2[%dma_wait3A_67, %dma_wait3A_68] : memref<400x256xf32, #tpu.memory_space<hbm>> -> memref<400x256xf32, #tpu.memory_space<hbm>>
    tpu.wait_indirect_dma semaphore(%arg9 : memref<!tpu.dma_semaphore, #tpu.memory_space<semaphore_mem>>) src(%dma_wait3A_69 : memref<400x256xf32, #tpu.memory_space<hbm>>) dst(%arg7 : memref<96x256xf32, #tpu.memory_space<vmem>>)
    %add3A_70 = arith.constant 288 : i32
    %add3A_71 = arith.addi %mul3A_2, %add3A_70 : i32
    "tpu.region"() ({
      %run_scoped3A = tpu.sem_alloc : memref<!tpu.dma_semaphore, #tpu.memory_space<semaphore_mem>>
      %dma_start3A_97 = arith.constant 0 : i32
      %dma_start3A_98 = tpu.memref_slice %arg4[%add3A_71, %dma_start3A_97] : memref<18432x256xf32, #tpu.memory_space<hbm>> -> memref<96x256xf32, #tpu.memory_space<hbm>>
      %dma_start3A_99 = arith.constant 0 : i32
      %dma_start3A_100 = tpu.memref_slice %arg4[%add3A_71, %dma_start3A_99] : memref<18432x256xf32, #tpu.memory_space<hbm>> -> memref<96x256xf32, #tpu.memory_space<hbm>>
      tpu.enqueue_dma source(%arg7 : memref<96x256xf32, #tpu.memory_space<vmem>>) target(%dma_start3A_100 : memref<96x256xf32, #tpu.memory_space<hbm>>) target_semaphore(%run_scoped3A : memref<!tpu.dma_semaphore, #tpu.memory_space<semaphore_mem>>)
      %dma_wait3A_101 = arith.constant 0 : i32
      %dma_wait3A_102 = tpu.memref_slice %arg4[%add3A_71, %dma_wait3A_101] : memref<18432x256xf32, #tpu.memory_space<hbm>> -> memref<96x256xf32, #tpu.memory_space<hbm>>
      %dma_wait3A_103 = arith.constant 0 : i32
      %dma_wait3A_104 = tpu.memref_slice %arg4[%add3A_71, %dma_wait3A_103] : memref<18432x256xf32, #tpu.memory_space<hbm>> -> memref<96x256xf32, #tpu.memory_space<hbm>>
      tpu.wait_dma2 semaphore(%run_scoped3A : memref<!tpu.dma_semaphore, #tpu.memory_space<semaphore_mem>>) src(%arg7 : memref<96x256xf32, #tpu.memory_space<vmem>>) dst(%dma_wait3A_104 : memref<96x256xf32, #tpu.memory_space<hbm>>)
      tpu.yield
    }) : () -> ()
    %dma_start3A_72 = arith.constant 5 : i32
    %dma_start3A_73 = arith.constant 0 : i32
    %dma_start3A_74 = tpu.memref_slice %arg5[%dma_start3A_72, %dma_start3A_73] : memref<6x96xi32, #tpu.memory_space<vmem>> -> memref<1x96xi32, #tpu.memory_space<vmem>>
    %dma_start3A_75 = tpu.memref_squeeze %dma_start3A_74 : memref<1x96xi32, #tpu.memory_space<vmem>> -> memref<96xi32, #tpu.memory_space<vmem>>
    %dma_start3A_76 = arith.constant 0 : i32
    %dma_start3A_77 = arith.constant 0 : i32
    %dma_start3A_78 = tpu.memref_slice %arg2[%dma_start3A_76, %dma_start3A_77] : memref<400x256xf32, #tpu.memory_space<hbm>> -> memref<400x256xf32, #tpu.memory_space<hbm>>
    tpu.enqueue_indirect_dma source(%dma_start3A_78 : memref<400x256xf32, #tpu.memory_space<hbm>>) target(%arg7 : memref<96x256xf32, #tpu.memory_space<vmem>>) offsets(%dma_start3A_75 : memref<96xi32, #tpu.memory_space<vmem>>) semaphore(%arg9 : memref<!tpu.dma_semaphore, #tpu.memory_space<semaphore_mem>>)
    %dma_wait3A_79 = arith.constant 4 : i32
    %dma_wait3A_80 = arith.constant 0 : i32
    %dma_wait3A_81 = tpu.memref_slice %arg5[%dma_wait3A_79, %dma_wait3A_80] : memref<6x96xi32, #tpu.memory_space<vmem>> -> memref<1x96xi32, #tpu.memory_space<vmem>>
    %dma_wait3A_82 = tpu.memref_squeeze %dma_wait3A_81 : memref<1x96xi32, #tpu.memory_space<vmem>> -> memref<96xi32, #tpu.memory_space<vmem>>
    %dma_wait3A_83 = arith.constant 0 : i32
    %dma_wait3A_84 = arith.constant 0 : i32
    %dma_wait3A_85 = tpu.memref_slice %arg2[%dma_wait3A_83, %dma_wait3A_84] : memref<400x256xf32, #tpu.memory_space<hbm>> -> memref<400x256xf32, #tpu.memory_space<hbm>>
    tpu.wait_indirect_dma semaphore(%arg8 : memref<!tpu.dma_semaphore, #tpu.memory_space<semaphore_mem>>) src(%dma_wait3A_85 : memref<400x256xf32, #tpu.memory_space<hbm>>) dst(%arg6 : memref<96x256xf32, #tpu.memory_space<vmem>>)
    %add3A_86 = arith.constant 384 : i32
    %add3A_87 = arith.addi %mul3A_2, %add3A_86 : i32
    "tpu.region"() ({
      %run_scoped3A = tpu.sem_alloc : memref<!tpu.dma_semaphore, #tpu.memory_space<semaphore_mem>>
      %dma_start3A_97 = arith.constant 0 : i32
      %dma_start3A_98 = tpu.memref_slice %arg4[%add3A_87, %dma_start3A_97] : memref<18432x256xf32, #tpu.memory_space<hbm>> -> memref<96x256xf32, #tpu.memory_space<hbm>>
      %dma_start3A_99 = arith.constant 0 : i32
      %dma_start3A_100 = tpu.memref_slice %arg4[%add3A_87, %dma_start3A_99] : memref<18432x256xf32, #tpu.memory_space<hbm>> -> memref<96x256xf32, #tpu.memory_space<hbm>>
      tpu.enqueue_dma source(%arg6 : memref<96x256xf32, #tpu.memory_space<vmem>>) target(%dma_start3A_100 : memref<96x256xf32, #tpu.memory_space<hbm>>) target_semaphore(%run_scoped3A : memref<!tpu.dma_semaphore, #tpu.memory_space<semaphore_mem>>)
      %dma_wait3A_101 = arith.constant 0 : i32
      %dma_wait3A_102 = tpu.memref_slice %arg4[%add3A_87, %dma_wait3A_101] : memref<18432x256xf32, #tpu.memory_space<hbm>> -> memref<96x256xf32, #tpu.memory_space<hbm>>
      %dma_wait3A_103 = arith.constant 0 : i32
      %dma_wait3A_104 = tpu.memref_slice %arg4[%add3A_87, %dma_wait3A_103] : memref<18432x256xf32, #tpu.memory_space<hbm>> -> memref<96x256xf32, #tpu.memory_space<hbm>>
      tpu.wait_dma2 semaphore(%run_scoped3A : memref<!tpu.dma_semaphore, #tpu.memory_space<semaphore_mem>>) src(%arg6 : memref<96x256xf32, #tpu.memory_space<vmem>>) dst(%dma_wait3A_104 : memref<96x256xf32, #tpu.memory_space<hbm>>)
      tpu.yield
    }) : () -> ()
    %dma_wait3A_88 = arith.constant 5 : i32
    %dma_wait3A_89 = arith.constant 0 : i32
    %dma_wait3A_90 = tpu.memref_slice %arg5[%dma_wait3A_88, %dma_wait3A_89] : memref<6x96xi32, #tpu.memory_space<vmem>> -> memref<1x96xi32, #tpu.memory_space<vmem>>
    %dma_wait3A_91 = tpu.memref_squeeze %dma_wait3A_90 : memref<1x96xi32, #tpu.memory_space<vmem>> -> memref<96xi32, #tpu.memory_space<vmem>>
    %dma_wait3A_92 = arith.constant 0 : i32
    %dma_wait3A_93 = arith.constant 0 : i32
    %dma_wait3A_94 = tpu.memref_slice %arg2[%dma_wait3A_92, %dma_wait3A_93] : memref<400x256xf32, #tpu.memory_space<hbm>> -> memref<400x256xf32, #tpu.memory_space<hbm>>
    tpu.wait_indirect_dma semaphore(%arg9 : memref<!tpu.dma_semaphore, #tpu.memory_space<semaphore_mem>>) src(%dma_wait3A_94 : memref<400x256xf32, #tpu.memory_space<hbm>>) dst(%arg7 : memref<96x256xf32, #tpu.memory_space<vmem>>)
    %add3A_95 = arith.constant 480 : i32
    %add3A_96 = arith.addi %mul3A_2, %add3A_95 : i32
    "tpu.region"() ({
      %run_scoped3A = tpu.sem_alloc : memref<!tpu.dma_semaphore, #tpu.memory_space<semaphore_mem>>
      %dma_start3A_97 = arith.constant 0 : i32
      %dma_start3A_98 = tpu.memref_slice %arg4[%add3A_96, %dma_start3A_97] : memref<18432x256xf32, #tpu.memory_space<hbm>> -> memref<96x256xf32, #tpu.memory_space<hbm>>
      %dma_start3A_99 = arith.constant 0 : i32
      %dma_start3A_100 = tpu.memref_slice %arg4[%add3A_96, %dma_start3A_99] : memref<18432x256xf32, #tpu.memory_space<hbm>> -> memref<96x256xf32, #tpu.memory_space<hbm>>
      tpu.enqueue_dma source(%arg7 : memref<96x256xf32, #tpu.memory_space<vmem>>) target(%dma_start3A_100 : memref<96x256xf32, #tpu.memory_space<hbm>>) target_semaphore(%run_scoped3A : memref<!tpu.dma_semaphore, #tpu.memory_space<semaphore_mem>>)
      %dma_wait3A_101 = arith.constant 0 : i32
      %dma_wait3A_102 = tpu.memref_slice %arg4[%add3A_96, %dma_wait3A_101] : memref<18432x256xf32, #tpu.memory_space<hbm>> -> memref<96x256xf32, #tpu.memory_space<hbm>>
      %dma_wait3A_103 = arith.constant 0 : i32
      %dma_wait3A_104 = tpu.memref_slice %arg4[%add3A_96, %dma_wait3A_103] : memref<18432x256xf32, #tpu.memory_space<hbm>> -> memref<96x256xf32, #tpu.memory_space<hbm>>
      tpu.wait_dma2 semaphore(%run_scoped3A : memref<!tpu.dma_semaphore, #tpu.memory_space<semaphore_mem>>) src(%arg7 : memref<96x256xf32, #tpu.memory_space<vmem>>) dst(%dma_wait3A_104 : memref<96x256xf32, #tpu.memory_space<hbm>>)
      tpu.yield
    }) : () -> ()
    return
  }
}

module attributes {stable_mosaic.version = 14 : i64} {
  func.func @_argmin_block(%arg0: i32, %arg1: memref<1152x256xf32, #tpu.memory_space<vmem>>, %arg2: memref<400x256xf32, #tpu.memory_space<vmem>>, %arg3: memref<1x400xf32, #tpu.memory_space<vmem>>, %arg4: memref<1152x1xi32, #tpu.memory_space<vmem>>) attributes {dimension_semantics = [#tpu.dimension_semantics<arbitrary>], iteration_bounds = array<i64: 16>, scalar_prefetch = 0 : i64, scratch_operands = 0 : i64, tpu.core_type = #tpu.core_type<tc>, window_params = [{transform_indices = @transform_0, window_bounds = array<i64: 1152, 256>}, {pipeline_mode = #tpu.pipeline_mode<synchronous>, transform_indices = @transform_1, window_bounds = array<i64: 400, 256>}, {pipeline_mode = #tpu.pipeline_mode<synchronous>, transform_indices = @transform_2, window_bounds = array<i64: 1, 400>}, {transform_indices = @transform_3, window_bounds = array<i64: 1152, 1>}]} {
    %get3A = arith.constant 0 : index
    %get3A_0 = arith.constant 0 : index
    %get3A_1 = vector.load %arg1[%get3A, %get3A_0] : memref<1152x256xf32, #tpu.memory_space<vmem>>, vector<1152x256xf32>
    %get3A_2 = arith.constant 0 : index
    %get3A_3 = arith.constant 0 : index
    %get3A_4 = vector.load %arg2[%get3A_2, %get3A_3] : memref<400x256xf32, #tpu.memory_space<vmem>>, vector<400x256xf32>
    %get3A_5 = arith.constant 0 : index
    %get3A_6 = arith.constant 0 : index
    %get3A_7 = vector.load %arg3[%get3A_5, %get3A_6] : memref<1x400xf32, #tpu.memory_space<vmem>>, vector<1x400xf32>
    %dot_general3A = arith.constant dense<0.000000e+00> : vector<1152x400xf32>
    %dot_general3A_8 = tpu.matmul %get3A_1, %get3A_4, %dot_general3A {dimension_numbers = #tpu.dot_dimension_numbers<[1], [1], [0], [0], [0, 0, 1, 0], [], []>, transpose_lhs_hint = false} : vector<1152x256xf32>, vector<400x256xf32>, vector<1152x400xf32> -> vector<1152x400xf32>
    %mul3A = arith.constant 2.000000e+00 : f32
    %mul3A_9 = vector.broadcast %mul3A : f32 to vector<1152x400xf32>
    %mul3A_10 = arith.mulf %mul3A_9, %dot_general3A_8 : vector<1152x400xf32>
    %sub3A = vector.broadcast %get3A_7 : vector<1x400xf32> to vector<1152x400xf32>
    %sub3A_11 = arith.subf %sub3A, %mul3A_10 : vector<1152x400xf32>
    %reduce_min3A = arith.constant dense<0x7F800000> : vector<1152xf32>
    %reduce_min3A_12 = vector.multi_reduction <minimumf>, %sub3A_11, %reduce_min3A [1] : vector<1152x400xf32> to vector<1152xf32>
    %broadcast_in_dim3A = vector.shape_cast %reduce_min3A_12 : vector<1152xf32> to vector<1152x1xf32>
    %iota3A = tpu.iota {dimensions = array<i32: 1>} : vector<1152x400xi32>
    %le3A = vector.broadcast %broadcast_in_dim3A : vector<1152x1xf32> to vector<1152x400xf32>
    %le3A_13 = arith.cmpf ole, %sub3A_11, %le3A : vector<1152x400xf32>
    %jit3A = arith.constant 400 : i32
    %broadcast_in_dim3A_14 = vector.broadcast %jit3A : i32 to vector<1152x400xi32>
    %select_n3A = arith.select %le3A_13, %iota3A, %broadcast_in_dim3A_14 : vector<1152x400xi1>, vector<1152x400xi32>
    %reduce_min3A_15 = arith.constant dense<2147483647> : vector<1152xi32>
    %reduce_min3A_16 = vector.multi_reduction <minsi>, %select_n3A, %reduce_min3A_15 [1] : vector<1152x400xi32> to vector<1152xi32>
    %broadcast_in_dim3A_17 = vector.shape_cast %reduce_min3A_16 : vector<1152xi32> to vector<1152x1xi32>
    %swap3A = arith.constant 0 : index
    %swap3A_18 = arith.constant 0 : index
    %swap3A_19 = vector.load %arg4[%swap3A, %swap3A_18] : memref<1152x1xi32, #tpu.memory_space<vmem>>, vector<1152x1xi32>
    tpu.vector_store %arg4[%swap3A, %swap3A_18], %broadcast_in_dim3A_17 {strides = array<i32>} : memref<1152x1xi32, #tpu.memory_space<vmem>>, vector<1152x1xi32>,
    return
  }
  func.func @transform_0(%arg0: i32) -> (i32, i32) {
    %c0_i32 = arith.constant 0 : i32
    %c0_i32_0 = arith.constant 0 : i32
    return %arg0, %c0_i32 : i32, i32
  }
  func.func @transform_1(%arg0: i32) -> (i32, i32) {
    %c0_i32 = arith.constant 0 : i32
    %c0_i32_0 = arith.constant 0 : i32
    %c0_i32_1 = arith.constant 0 : i32
    return %c0_i32, %c0_i32_0 : i32, i32
  }
  func.func @transform_2(%arg0: i32) -> (i32, i32) {
    %c0_i32 = arith.constant 0 : i32
    %c0_i32_0 = arith.constant 0 : i32
    %c0_i32_1 = arith.constant 0 : i32
    return %c0_i32, %c0_i32_0 : i32, i32
  }
  func.func @transform_3(%arg0: i32) -> (i32, i32) {
    %c0_i32 = arith.constant 0 : i32
    %c0_i32_0 = arith.constant 0 : i32
    return %arg0, %c0_i32 : i32, i32
  }
}

</mosaic_0001>

<sc_bundles>
// kernel: kernel.4.cloned.1.call-start
scs
__scs_entry_jumppad:
0x0: {  	(pc) =	sbr.rel $0x88, $3  }
0x1: {  	(tag) =	ssettag $0x0;
	lr =	simm.s32 $0x1  }
0x2: {  	[smem:$0x3F9F] =	sst lr;
	_ =	strace $0xD0000000  }
0x3: {  	_ = 	snop  }
0x4: {  	_ = 	snop  }
0x5: {  	_ = 	snop  }
0x6: {  	_ = 	snop  }
0x7: {  	_ = 	snop  }
__scs_overlays_trampoline_lowered:
0x8: {  	[smem:$0x3FAE] =	sst s0  }
0x9: {  	[smem:$0x3FAF] =	sst s1  }
0xa: {  	[smem:$0x3FB0] =	sst s2  }
0xb: {  	[smem:$0x3FB1] =	sst s3  }
0xc: {  	[smem:$0x3FB2] =	sst s4  }
0xd: {  	[smem:$0x3FB3] =	sst s5  }
0xe: {  	[smem:$0x3FB4] =	sst s6  }
0xf: {  	[smem:$0x3FB5] =	sst s7  }
0x10: {  	[smem:$0x3FB6] =	sst s8  }
0x11: {  	[smem:$0x3FB7] =	sst s9;
	s0 =	simm.s32 @!p0 $0x0  }
0x12: {  	s1 =	sld [smem:$0x3F9D];
	s0 =	simm.s32 @p0 $0x1  }
0x13: {  	[smem:$0x3FB8] =	sst s0;
	s0 =	simm.s32 @!p1 $0x0  }
0x14: {  	s2 =	sld [smem:$0x3F9C];
	s0 =	simm.s32 @p1 $0x1  }
0x15: {  	[smem:$0x3FB9] =	sst s0;
	s0 =	simm.s32 @!p2 $0x0  }
0x16: {  	s3 =	sld [smem:$0x3FDB];
	s0 =	simm.s32 @p2 $0x1  }
0x17: {  	s4 =	simm.s32 $0x1BF5;
	[smem:$0x3FBB] =	sst s0  }
0x18: {  	s0 =	sld [smem:$0x3F9E];
	_ =	swait.ge [sflag:s4], $0x0  }
0x19: {  	s7 =	sld [smem:$0x3F9F]  }
0x1a: {  	s8 =	sadd.s32 $0xFFFFE003, lr  }
0x1b: {  	s9 =	sadd.s32 $0xFFFFFEF7, lr;
	s5 =	simm.s32 $0xFFFFFFFF;
	p2 =	slt.u32 s8, $0xFFFFF086  }
0x1c: {  	p1 =	slt.u32 s9, $0xF7A;
	s5 =	simm.s32 @!p2 $0x0  }
0x1d: {  	s5 =	simm.s32 @p1 $0x1;
	p0 =	seq.s32 s7, s2  }
0x1e: {  	s7 =	smul.u32 @!p0 $0xF7A, s2;
	p2 =	seq.s32 @!p0 s5, $0x0  }
0x1f: {  	s9 =	smul.u32 $0xF7A, s1;
	s8 =	simm.s32 @!p0 $0x1BF5;
	p2 =	por !p2, p0  }
0x20: {  	[sflag:s8] =	ssyncset.s32 @!p0 $0xFFFFF086;
	s6 =	sadd.s32 @!p0 s3, s7;
	s7 =	simm.s32 @!p0 $0x108  }
0x21: {  	s3 =	sadd.s32 s3, s9;
	s6 =	sadd.s32 @!p0 $0x88, s6;
	s7 =	simm.s32 @p2 $0x1082  }
0x22: {  	[simem:s7], [sflag:s8] =	dma.local @!p0 [hbm:s6], $0xF7A  }
0x23: {  	s9 =	sor.u32 $0xD0000000, s2;
	s6 =	simm.s32 $0x108;
	_ =	swait.ge @!p0 [sflag:s8], $0x0  }
0x24: {  	s3 =	sadd.s32 $0x88, s3;
	s6 =	simm.s32 @!p1 $0x1082;
	[sflag:s4] =	ssyncset.s32 $0xFFFFF086  }
0x25: {  	[simem:s6], [sflag:s4] =	dma.local [hbm:s3], $0xF7A  }
0x26: {  	[smem:$0x3F9F] =	sst s1;
	(tag) =	ssettag s2;
	_ =	strace s9  }
0x27: {  	s1 =	sld [smem:$0x3FAF]  }
0x28: {  	s2 =	sld [smem:$0x3FB0]  }
0x29: {  	s4 =	sld [smem:$0x3FB2]  }
0x2a: {  	p0 =	seq.s32 s5, $0x0;
	s5 =	sld [smem:$0x3FB3]  }
0x2b: {  	s6 =	sld [smem:$0x3FB4]  }
0x2c: {  	s7 =	sld [smem:$0x3FB5]  }
0x2d: {  	s3 =	simm.s32 $0x108;
	s8 =	sld [smem:$0x3FB6]  }
0x2e: {  	s3 =	simm.s32 @!p0 $0x1082;
	s9 =	sld [smem:$0x3FB7]  }
0x2f: {  	lr =	sadd.s32 s0, s3;
	s0 =	sld [smem:$0x3FAE]  }
0x30: {  	s3 =	sld [smem:$0x3FB1]  }
0x31: {  	[smem:$0x3FBA] =	sst s10  }
0x32: {  	s10 =	sld [smem:$0x3FB8];
	_ =	sdelay $0x3  }
0x33: {  	p0 =	seq.s32 s10, $0x1;
	s10 =	sld [smem:$0x3FBA];
	_ =	sdelay $0x3  }
0x34: {  	[smem:$0x3FBA] =	sst s10  }
0x35: {  	s10 =	sld [smem:$0x3FB9];
	_ =	sdelay $0x3  }
0x36: {  	p1 =	seq.s32 s10, $0x1;
	s10 =	sld [smem:$0x3FBA];
	_ =	sdelay $0x3  }
0x37: {  	[smem:$0x3FBA] =	sst s10  }
0x38: {  	s10 =	sld [smem:$0x3FBB]  }
0x39: {  	_ = 	snop;
	(pc) =	sbr.ind lr, $3  }
0x3a: {  	_ = 	snop  }
0x3b: {  	_ = 	snop  }
0x3c: {  	p2 =	seq.s32 s10, $0x1;
	s10 =	sld [smem:$0x3FBA]  }
0x3d: {  	_ =	shalt  }
0x3e: {  	_ =	shalt  }
0x3f: {  	_ =	shalt  }
0x40: {  	_ =	shalt  }
0x41: {  	_ =	shalt  }
0x42: {  	_ =	shalt  }
0x43: {  	_ =	shalt  }
0x44: {  	_ =	shalt  }
0x45: {  	_ =	shalt  }
0x46: {  	_ =	shalt  }
0x47: {  	_ =	shalt  }
0x48: {  	_ =	shalt  }
0x49: {  	_ =	shalt  }
0x4a: {  	_ =	shalt  }
0x4b: {  	_ =	shalt  }
0x4c: {  	_ =	shalt  }
0x4d: {  	_ =	shalt  }
0x4e: {  	_ =	shalt  }
0x4f: {  	_ =	shalt  }
0x50: {  	_ =	shalt  }
0x51: {  	_ =	shalt  }
0x52: {  	_ =	shalt  }
0x53: {  	_ =	shalt  }
0x54: {  	_ =	shalt  }
0x55: {  	_ =	shalt  }
0x56: {  	_ =	shalt  }
0x57: {  	_ =	shalt  }
0x58: {  	_ =	shalt  }
0x59: {  	_ =	shalt  }
0x5a: {  	_ =	shalt  }
0x5b: {  	_ =	shalt  }
0x5c: {  	_ =	shalt  }
0x5d: {  	_ =	shalt  }
0x5e: {  	_ =	shalt  }
0x5f: {  	_ =	shalt  }
0x60: {  	_ =	shalt  }
0x61: {  	_ =	shalt  }
0x62: {  	_ =	shalt  }
0x63: {  	_ =	shalt  }
0x64: {  	_ =	shalt  }
0x65: {  	_ =	shalt  }
0x66: {  	_ =	shalt  }
0x67: {  	_ =	shalt  }
0x68: {  	_ =	shalt  }
0x69: {  	_ =	shalt  }
0x6a: {  	_ =	shalt  }
0x6b: {  	_ =	shalt  }
0x6c: {  	_ =	shalt  }
0x6d: {  	_ =	shalt  }
0x6e: {  	_ =	shalt  }
0x6f: {  	_ =	shalt  }
0x70: {  	_ =	shalt  }
0x71: {  	_ =	shalt  }
0x72: {  	_ =	shalt  }
0x73: {  	_ =	shalt  }
0x74: {  	_ =	shalt  }
0x75: {  	_ =	shalt  }
0x76: {  	_ =	shalt  }
0x77: {  	_ =	shalt  }
0x78: {  	_ =	shalt  }
0x79: {  	_ =	shalt  }
0x7a: {  	_ =	shalt  }
0x7b: {  	_ =	shalt  }
0x7c: {  	_ =	shalt  }
0x7d: {  	_ =	shalt  }
0x7e: {  	_ =	shalt  }
0x7f: {  	_ =	shalt  }
0x80: {  	_ =	shalt  }
0x81: {  	_ =	shalt  }
0x82: {  	_ =	shalt  }
0x83: {  	_ =	shalt  }
0x84: {  	_ =	shalt  }
0x85: {  	_ =	shalt  }
0x86: {  	_ =	shalt  }
0x87: {  	_ =	shalt  }
.Lfunc_end0:
.L_simem_size_0:
called_computation_lowered:
.L_overlay_start_0:
0x88: {  	s2 =	sld [smem:$0x3FD9]  }
0x89: {  	s3 =	sld [smem:$0x3FFE];
	_ =	sdelay $0x1  }
0x8a: {  	s1 =	srdreg.scid  }
0x8b: {  	s0 =	sand.u32 $0x1, s1  }
0x8c: {  	s17 =	sshll.u32 s0, $0xA;
	s2 =	sadd.s32 s3, s2  }
0x8d: {  	s2 =	sadd.s32 s2, s17  }
0x8e: {  	[smem:$0x3FC6] =	sst s2  }
0x8f: {  	_ = 	snop  }
0x90: {  	s2 =	sld [smem:$0x3FC8]  }
0x91: {  	s18 =	sld [smem:$0x3FD0];
	(tm) =	ssettm $0x1  }
0x92: {  	s4 =	sld [smem:$0x3FFB];
	_ =	sdelay $0x3  }
0x93: {  	_ =	strace s4  }
0x94: {  	s4 =	sld [smem:$0x3FFC];
	_ =	sdelay $0x3  }
0x95: {  	_ =	strace s4  }
0x96: {  	s4 =	sld [smem:$0x3FFD];
	_ =	sdelay $0x3  }
0x97: {  	_ =	strace s4  }
0x98: {  	_ =	strace $0x8FFFFFFF  }
0x99: {  	s19 =	sld [smem:$0x3FDB];
	_ =	sdelay $0x1  }
0x9a: {  	s5 =	simm.s32 $_scs_section_size  }
0x9b: {  	s6 =	simm.s32 $_size__tile_overlayer_lowered;
	s7 =	simm.s32 $_tile_overlayer_lowered  }
0x9c: {  	s22 =	simm.s32 $0x1BFF;
	s21 =	sshll.u32 s7, $0x1;
	s4 =	sadd.s32 s5, s19  }
0x9d: {  	s8 =	simm.s32 $0x0;
	s20 =	sshll.u32 s6, $0x1;
	s6 =	sadd.s32 s21, s4  }
0x9e: {  	[timem:s8], [sflag:s22] =	dma.local [hbm:s6], s20  }
0x9f: {  	_ =	swait.ge [sflag:s22], s20  }
0xa0: {  	s5 =	ssub.s32 $0x0, s20;
	[sflag:s22] =	ssyncset.done $0x0  }
0xa1: {  	[sflag:s22] =	ssyncadd.s32 s5;
	_ =	sdelay $0x1  }
0xa2: {  	s23 =	simm.s32 $0x1B8B  }
0xa3: {  	_ =	swait.ge [sflag:s23], $0x1  }
0xa4: {  	[sflag:s23] =	ssyncset.done $0x0  }
0xa5: {  	s25 =	simm.s32 $0x1B8E;
	s24 =	sld [smem:$0x3FFE];
	[sflag:s23] =	ssyncadd.s32 $0xFFFFFFFF  }
0xa6: {  	s26 =	simm.s32 $execute0_lowered;
	[smem:$0x3FD2] =	sst s25  }
0xa7: {  	s6 =	sshll.u32 s26, $0x1;
	_ =	strace $0x80000046;
	[dreg:$0x1] =	wrdreg $0xFFFFFFFF  }
0xa8: {  	s28 =	simm.s32 $_size_execute0_lowered;
	s4 =	sadd.s32 s4, s6;
	[dreg:$0x0] =	wrdreg $0x0  }
0xa9: {  	s6 =	sshll.u32 s28, $0x1;
	[dreg:$0x2] =	wrdreg s4  }
0xaa: {  	[dreg:$0x3] =	wrdreg s6  }
0xab: {  	[dreg:$0x4] =	wrdreg $0xC0  }
0xac: {  	_ =	task [dreg:s8], $0x5FFFF  }
0xad: {  	[dreg:$0x1] =	wrdreg $0xFFFFFFFF  }
0xae: {  	[dreg:$0x0] =	wrdreg $0x60  }
0xaf: {  	[dreg:$0x2] =	wrdreg s2  }
0xb0: {  	[dreg:$0x3] =	wrdreg s24  }
0xb1: {  	[dreg:$0x4] =	wrdreg s18  }
0xb2: {  	[dreg:$0x5] =	wrdreg $0x9  }
0xb3: {  	_ =	task.clear_ibuf [dreg:s8], $0x6FFFF;
	_ =	strace $0x90000046  }
0xb4: {  	s29 =	simm.s32 $0x9;
	_ =	strace $0x80000048  }
0xb5: {  	_ =	swait.ge [sflag:s29], $0x1  }
0xb6: {  	[sflag:s29] =	ssyncadd.s32 $0xFFFFFFFF  }
0xb7: {  	_ =	strace $0x90000048  }
0xb8: {  	_ =	sfence  }
0xb9: {  	s30 =	sld [smem:$0x0];
	_ =	sdelay $0x2  }
0xba: {  	s31 =	sshll.u32 s1, $0xD;
	s1 =	sshrl.u32 s1, $0x2  }
0xbb: {  	s3 =	sand.u32 $0x4000, s31;
	s1 =	sadd.s32 s1, s30  }
0xbc: {  	s0 =	sor.u32 s3, s0;
	s1 =	sshll.u32 s1, $0x11  }
0xbd: {  	s0 =	sor.u32 s1, s0  }
0xbe: {  	s0 =	sadd.s32 $0x8F2B, s0  }
0xbf: {  	[sflag:s0] =	ssyncadd.remote.s32 $0x1  }
0xc0: {  	_ =	sfence.sel $0xFFFF  }
0xc1: {  	[dreg:$0x0] =	wrdreg $0xFFFFFFFF;
	(pc) =	sbr.abs _section_cstart, $3  }
0xc2: {  	[dreg:$0x1] =	wrdreg $0xFFFFFFFF  }
0xc3: {  	_ =	task.clear_ibuf [dreg:s8], $0x2FFFF;
	_ =	strace $0x9FFFFFFF  }
0xc4: {  	(tm) =	ssettm $0x7FFFFFFF  }
0xc5: {  	_ =	shalt  }
tec
execute0_lowered:
.L_overlay_start_1:
0x0: {  	(tag) =	ssettag $0x1  }
0x1: {  	s1 =	rddreg [dreg:$0x0];
	s2 =	srdreg.scid  }
0x2: {  	s0 =	stileid.u32;
	s4 =	rddreg [dreg:$0x1]  }
0x3: {  	s5 =	rddreg [dreg:$0x2];
	s9 =	simm.s32 $0x1C00;
	s10 =	simm.s32 $0x2400  }
0x4: {  	s11 =	simm.s32 $0x2C00;
	s12 =	simm.s32 $0x3400;
	s13 =	simm.s32 $0x3C00  }
0x5: {  	s14 =	simm.s32 $0x4400;
	s15 =	simm.s32 $0x4C00;
	s16 =	simm.s32 $0x5400  }
0x6: {  	s17 =	simm.s32 $0x5C00;
	s18 =	simm.s32 $0x6400;
	s19 =	simm.s32 $0x6C00  }
0x7: {  	s28 =	simm.s32 $0xAC00;
	s29 =	simm.s32 $0xB400;
	s30 =	simm.s32 $0xBC00  }
0x8: {  	s31 =	simm.s32 $0x1;
	s2 =	sand.u32 $0x1, s2;
	s3 =	sshll.u32 s0, $0x1  }
0x9: {  	s6 =	sor.u32 s2, s3;
	s3 =	simm.s32 $0x0;
	s2 =	ssub.s32 $0x2, s2  }
0xa: {  	s7 =	smul.u32 $0x24000, s6;
	[smem:$0x7FF] =	sst s3;
	s8 =	sshll.u32 s6, $0x7  }
0xb: {  	s6 =	smul.u32 $0x4800, s6;
	s24 =	sshrl.u32 s2, $0x1;
	_ =	strace $0x80000047  }
0xc: {  	s4 =	sadd.s32 s4, s8;
	s2 =	ssub.s32 s2, s24;
	s8 =	simm.s32 $0x1400  }
0xd: {  	s24 =	simm.s32 $0x9400;
	s7 =	sshrl.u32 s7, $0x3;
	[dreg:$0x4] =	wrdreg s4  }
0xe: {  	s20 =	sadd.s32 s5, s6;
	s4 =	smax.u32 s2, $0x1;
	s5 =	sadd.s32 s5, s7  }
0xf: {  	s6 =	simm.s32 $0x400;
	[dreg:$0x5] =	wrdreg s20;
	s21 =	sadd.s32 $0xC00, s5  }
0x10: {  	s2 =	simm.s32 $0x2;
	s22 =	sadd.s32 $0x1800, s5;
	[dreg:$0x6] =	wrdreg s21  }
0x11: {  	s7 =	simm.s32 $0xC00;
	s23 =	sadd.s32 $0x2400, s5;
	[dreg:$0x7] =	wrdreg s22  }
0x12: {  	s20 =	simm.s32 $0x7400;
	s25 =	sadd.s32 $0x3000, s5;
	[dreg:$0x8] =	wrdreg s23  }
0x13: {  	v2 =	vlaneseq.u32;
	s26 =	sadd.s32 $0x3C00, s5;
	s5 =	simm.s32 $0x3;
	[dreg:$0x9] =	wrdreg s25  }
0x14: {  	vm0 =	vmmov $0xffff;
	v1 =	vshrl.u32 v2, $0x3;
	[dreg:$0xa] =	wrdreg s26;
	s21 =	simm.s32 $0x7C00;
	s22 =	simm.s32 $0x8400  }
0x15: {  	v0 =	vand.u32 $0x7, v2;
	v2 =	vor.u32 $0x8, v2;
	v1 =	vmul.u32 $0x8, v1;
	s23 =	simm.s32 $0x8C00;
	s25 =	simm.s32 $0x9C00;
	s26 =	simm.s32 $0xA400  }
.LBB2_1:
0x16: {  	s0 =	rddreg [dreg:$0x4]  }
0x17: {  	[tilespmem:s3], [sflag:$0x3] =	stream.linear.gather [hbm4b:s0+s3], $0x300, $0x38;
	[tilespmem:$0xC400] =	vst v63  }
0x18: {  	_ =	swait.ge [sflag:s5], $0x300  }
0x19: {  	[sflag:s5] =	ssyncset.done $0x0  }
0x1a: {  	[sflag:s5] =	ssyncadd.s32 $0xFFFFFD00  }
0x1b: {  	v3 =	vld [tilespmem:$0x0];
	_ =	sdelay $0x4  }
0x1c: {  	v4 =	vshll.u32 v3, $0x1  }
0x1d: {  	v3 =	vand.u32 $0x7, v3;
	v4 =	vand.u32 $0xFFFFFFF0, v4  }
0x1e: {  	v3 =	vor.u32 v3, v4  }
0x1f: {  	v4 =	vperm.xlane v3, v0;
	_ =	sdelay $0x1  }
0x20: {  	v3 =	vperm.xlane v3, v2;
	v4 =	vadd.s32 v1, v4;
	_ =	sdelay $0x1  }
0x21: {  	v3 =	vadd.s32 v1, v3;
	_ =	sdelay $0x2  }
0x22: {  	[tilespmem:s6], [sflag:$0x1] =	stream.indirect_vreg.gather [hbm4b:s1+s3], $0x80, v4, vm0, $0xb8;
	[tilespmem:$0xC400] =	vst v63  }
0x23: {  	_ = 	snop  }
0x24: {  	[tilespmem:s7], [sflag:$0x1] =	stream.indirect_vreg.gather [hbm4b:s1+s3], $0x80, v3, vm0, $0xb8;
	[tilespmem:$0xC400] =	vst v63  }
0x25: {  	v3 =	vld [tilespmem:$0x10];
	_ =	sdelay $0x4  }
0x26: {  	v29 =	vshll.u32 v3, $0x1  }
0x27: {  	v3 =	vand.u32 $0x7, v3;
	v4 =	vand.u32 $0xFFFFFFF0, v29  }
0x28: {  	v3 =	vor.u32 v3, v4  }
0x29: {  	v4 =	vperm.xlane v3, v0;
	_ =	sdelay $0x1  }
0x2a: {  	v3 =	vperm.xlane v3, v2;
	v4 =	vadd.s32 v1, v4;
	_ =	sdelay $0x1  }
0x2b: {  	v3 =	vadd.s32 v1, v3;
	_ =	sdelay $0x2  }
0x2c: {  	[tilespmem:s8], [sflag:$0x1] =	stream.indirect_vreg.gather [hbm4b:s1+s3], $0x80, v4, vm0, $0xb8;
	[tilespmem:$0xC400] =	vst v63  }
0x2d: {  	_ = 	snop  }
0x2e: {  	[tilespmem:s9], [sflag:$0x1] =	stream.indirect_vreg.gather [hbm4b:s1+s3], $0x80, v3, vm0, $0xb8;
	[tilespmem:$0xC400] =	vst v63  }
0x2f: {  	v3 =	vld [tilespmem:$0x20];
	_ =	sdelay $0x4  }
0x30: {  	v30 =	vshll.u32 v3, $0x1  }
0x31: {  	v3 =	vand.u32 $0x7, v3;
	v4 =	vand.u32 $0xFFFFFFF0, v30  }
0x32: {  	v3 =	vor.u32 v3, v4  }
0x33: {  	v4 =	vperm.xlane v3, v0;
	_ =	sdelay $0x1  }
0x34: {  	v3 =	vperm.xlane v3, v2;
	v4 =	vadd.s32 v1, v4;
	_ =	sdelay $0x1  }
0x35: {  	v3 =	vadd.s32 v1, v3;
	_ =	sdelay $0x2  }
0x36: {  	[tilespmem:s10], [sflag:$0x1] =	stream.indirect_vreg.gather [hbm4b:s1+s3], $0x80, v4, vm0, $0xb8;
	[tilespmem:$0xC400] =	vst v63  }
0x37: {  	_ = 	snop  }
0x38: {  	[tilespmem:s11], [sflag:$0x1] =	stream.indirect_vreg.gather [hbm4b:s1+s3], $0x80, v3, vm0, $0xb8;
	[tilespmem:$0xC400] =	vst v63  }
0x39: {  	v3 =	vld [tilespmem:$0x30];
	_ =	sdelay $0x4  }
0x3a: {  	v31 =	vshll.u32 v3, $0x1  }
0x3b: {  	v3 =	vand.u32 $0x7, v3;
	v4 =	vand.u32 $0xFFFFFFF0, v31  }
0x3c: {  	v3 =	vor.u32 v3, v4  }
0x3d: {  	v4 =	vperm.xlane v3, v0;
	_ =	sdelay $0x1  }
0x3e: {  	v3 =	vperm.xlane v3, v2;
	v4 =	vadd.s32 v1, v4;
	_ =	sdelay $0x1  }
0x3f: {  	v3 =	vadd.s32 v1, v3;
	_ =	sdelay $0x2  }
0x40: {  	[tilespmem:s12], [sflag:$0x1] =	stream.indirect_vreg.gather [hbm4b:s1+s3], $0x80, v4, vm0, $0xb8;
	[tilespmem:$0xC400] =	vst v63  }
0x41: {  	_ = 	snop  }
0x42: {  	[tilespmem:s13], [sflag:$0x1] =	stream.indirect_vreg.gather [hbm4b:s1+s3], $0x80, v3, vm0, $0xb8;
	[tilespmem:$0xC400] =	vst v63  }
0x43: {  	v3 =	vld [tilespmem:$0x40];
	_ =	sdelay $0x4  }
0x44: {  	v32 =	vshll.u32 v3, $0x1  }
0x45: {  	v3 =	vand.u32 $0x7, v3;
	v4 =	vand.u32 $0xFFFFFFF0, v32  }
0x46: {  	v3 =	vor.u32 v3, v4  }
0x47: {  	v4 =	vperm.xlane v3, v0;
	_ =	sdelay $0x1  }
0x48: {  	v3 =	vperm.xlane v3, v2;
	v4 =	vadd.s32 v1, v4;
	_ =	sdelay $0x1  }
0x49: {  	v3 =	vadd.s32 v1, v3;
	_ =	sdelay $0x2  }
0x4a: {  	[tilespmem:s14], [sflag:$0x1] =	stream.indirect_vreg.gather [hbm4b:s1+s3], $0x80, v4, vm0, $0xb8;
	[tilespmem:$0xC400] =	vst v63  }
0x4b: {  	_ = 	snop  }
0x4c: {  	[tilespmem:s15], [sflag:$0x1] =	stream.indirect_vreg.gather [hbm4b:s1+s3], $0x80, v3, vm0, $0xb8;
	[tilespmem:$0xC400] =	vst v63  }
0x4d: {  	v3 =	vld [tilespmem:$0x50];
	_ =	sdelay $0x4  }
0x4e: {  	v33 =	vshll.u32 v3, $0x1  }
0x4f: {  	v3 =	vand.u32 $0x7, v3;
	v4 =	vand.u32 $0xFFFFFFF0, v33  }
0x50: {  	v3 =	vor.u32 v3, v4  }
0x51: {  	v4 =	vperm.xlane v3, v0;
	_ =	sdelay $0x1  }
0x52: {  	v3 =	vperm.xlane v3, v2;
	v4 =	vadd.s32 v1, v4;
	_ =	sdelay $0x1  }
0x53: {  	v3 =	vadd.s32 v1, v3;
	_ =	sdelay $0x2  }
0x54: {  	[tilespmem:s16], [sflag:$0x1] =	stream.indirect_vreg.gather [hbm4b:s1+s3], $0x80, v4, vm0, $0xb8;
	[tilespmem:$0xC400] =	vst v63  }
0x55: {  	_ = 	snop  }
0x56: {  	[tilespmem:s17], [sflag:$0x1] =	stream.indirect_vreg.gather [hbm4b:s1+s3], $0x80, v3, vm0, $0xb8;
	[tilespmem:$0xC400] =	vst v63  }
0x57: {  	v3 =	vld [tilespmem:$0x80];
	_ =	sdelay $0x4  }
0x58: {  	v34 =	vshll.u32 v3, $0x1  }
0x59: {  	v3 =	vand.u32 $0x7, v3;
	v4 =	vand.u32 $0xFFFFFFF0, v34  }
0x5a: {  	v3 =	vor.u32 v3, v4  }
0x5b: {  	v4 =	vperm.xlane v3, v0;
	_ =	sdelay $0x1  }
0x5c: {  	v3 =	vperm.xlane v3, v2;
	v4 =	vadd.s32 v1, v4;
	_ =	sdelay $0x1  }
0x5d: {  	v3 =	vadd.s32 v1, v3;
	_ =	sdelay $0x2  }
0x5e: {  	[tilespmem:s18], [sflag:$0x2] =	stream.indirect_vreg.gather [hbm4b:s1+s3], $0x80, v4, vm0, $0xb8;
	[tilespmem:$0xC400] =	vst v63  }
0x5f: {  	_ = 	snop  }
0x60: {  	[tilespmem:s19], [sflag:$0x2] =	stream.indirect_vreg.gather [hbm4b:s1+s3], $0x80, v3, vm0, $0xb8;
	[tilespmem:$0xC400] =	vst v63  }
0x61: {  	v3 =	vld [tilespmem:$0x90];
	_ =	sdelay $0x4  }
0x62: {  	v35 =	vshll.u32 v3, $0x1  }
0x63: {  	v3 =	vand.u32 $0x7, v3;
	v4 =	vand.u32 $0xFFFFFFF0, v35  }
0x64: {  	v3 =	vor.u32 v3, v4  }
0x65: {  	v4 =	vperm.xlane v3, v0;
	_ =	sdelay $0x1  }
0x66: {  	v3 =	vperm.xlane v3, v2;
	v4 =	vadd.s32 v1, v4;
	_ =	sdelay $0x1  }
0x67: {  	v3 =	vadd.s32 v1, v3;
	_ =	sdelay $0x2  }
0x68: {  	[tilespmem:s20], [sflag:$0x2] =	stream.indirect_vreg.gather [hbm4b:s1+s3], $0x80, v4, vm0, $0xb8;
	[tilespmem:$0xC400] =	vst v63  }
0x69: {  	_ = 	snop  }
0x6a: {  	[tilespmem:s21], [sflag:$0x2] =	stream.indirect_vreg.gather [hbm4b:s1+s3], $0x80, v3, vm0, $0xb8;
	[tilespmem:$0xC400] =	vst v63  }
0x6b: {  	v3 =	vld [tilespmem:$0xA0];
	_ =	sdelay $0x4  }
0x6c: {  	v36 =	vshll.u32 v3, $0x1  }
0x6d: {  	v3 =	vand.u32 $0x7, v3;
	v4 =	vand.u32 $0xFFFFFFF0, v36  }
0x6e: {  	v3 =	vor.u32 v3, v4  }
0x6f: {  	v4 =	vperm.xlane v3, v0;
	_ =	sdelay $0x1  }
0x70: {  	v3 =	vperm.xlane v3, v2;
	v4 =	vadd.s32 v1, v4;
	_ =	sdelay $0x1  }
0x71: {  	v3 =	vadd.s32 v1, v3;
	_ =	sdelay $0x2  }
0x72: {  	[tilespmem:s22], [sflag:$0x2] =	stream.indirect_vreg.gather [hbm4b:s1+s3], $0x80, v4, vm0, $0xb8;
	[tilespmem:$0xC400] =	vst v63  }
0x73: {  	_ = 	snop  }
0x74: {  	[tilespmem:s23], [sflag:$0x2] =	stream.indirect_vreg.gather [hbm4b:s1+s3], $0x80, v3, vm0, $0xb8;
	[tilespmem:$0xC400] =	vst v63  }
0x75: {  	v3 =	vld [tilespmem:$0xB0];
	_ =	sdelay $0x4  }
0x76: {  	v37 =	vshll.u32 v3, $0x1  }
0x77: {  	v3 =	vand.u32 $0x7, v3;
	v4 =	vand.u32 $0xFFFFFFF0, v37  }
0x78: {  	v3 =	vor.u32 v3, v4  }
0x79: {  	v4 =	vperm.xlane v3, v0;
	_ =	sdelay $0x1  }
0x7a: {  	v3 =	vperm.xlane v3, v2;
	v4 =	vadd.s32 v1, v4;
	_ =	sdelay $0x1  }
0x7b: {  	v3 =	vadd.s32 v1, v3;
	_ =	sdelay $0x2  }
0x7c: {  	[tilespmem:s24], [sflag:$0x2] =	stream.indirect_vreg.gather [hbm4b:s1+s3], $0x80, v4, vm0, $0xb8;
	[tilespmem:$0xC400] =	vst v63  }
0x7d: {  	_ = 	snop  }
0x7e: {  	[tilespmem:s25], [sflag:$0x2] =	stream.indirect_vreg.gather [hbm4b:s1+s3], $0x80, v3, vm0, $0xb8;
	[tilespmem:$0xC400] =	vst v63  }
0x7f: {  	v3 =	vld [tilespmem:$0xC0];
	_ =	sdelay $0x4  }
0x80: {  	v38 =	vshll.u32 v3, $0x1  }
0x81: {  	v3 =	vand.u32 $0x7, v3;
	v4 =	vand.u32 $0xFFFFFFF0, v38  }
0x82: {  	v3 =	vor.u32 v3, v4  }
0x83: {  	v4 =	vperm.xlane v3, v0;
	_ =	sdelay $0x1  }
0x84: {  	v3 =	vperm.xlane v3, v2;
	v4 =	vadd.s32 v1, v4;
	_ =	sdelay $0x1  }
0x85: {  	v3 =	vadd.s32 v1, v3;
	_ =	sdelay $0x2  }
0x86: {  	[tilespmem:s26], [sflag:$0x2] =	stream.indirect_vreg.gather [hbm4b:s1+s3], $0x80, v4, vm0, $0xb8;
	[tilespmem:$0xC400] =	vst v63  }
0x87: {  	_ = 	snop  }
0x88: {  	[tilespmem:s28], [sflag:$0x2] =	stream.indirect_vreg.gather [hbm4b:s1+s3], $0x80, v3, vm0, $0xb8;
	[tilespmem:$0xC400] =	vst v63  }
0x89: {  	v3 =	vld [tilespmem:$0xD0];
	_ =	sdelay $0x4  }
0x8a: {  	v39 =	vshll.u32 v3, $0x1  }
0x8b: {  	v3 =	vand.u32 $0x7, v3;
	v4 =	vand.u32 $0xFFFFFFF0, v39  }
0x8c: {  	v3 =	vor.u32 v3, v4  }
0x8d: {  	v4 =	vperm.xlane v3, v0;
	_ =	sdelay $0x1  }
0x8e: {  	v3 =	vperm.xlane v3, v2;
	v4 =	vadd.s32 v1, v4;
	_ =	sdelay $0x1  }
0x8f: {  	v3 =	vadd.s32 v1, v3;
	_ =	sdelay $0x2  }
0x90: {  	[tilespmem:s29], [sflag:$0x2] =	stream.indirect_vreg.gather [hbm4b:s1+s3], $0x80, v4, vm0, $0xb8;
	[tilespmem:$0xC400] =	vst v63  }
0x91: {  	_ = 	snop  }
0x92: {  	[tilespmem:s30], [sflag:$0x2] =	stream.indirect_vreg.gather [hbm4b:s1+s3], $0x80, v3, vm0, $0xb8;
	[tilespmem:$0xC400] =	vst v63  }
0x93: {  	_ =	swait.ge [sflag:s31], $0x6000  }
0x94: {  	[sflag:s31] =	ssyncset.done $0x0  }
0x95: {  	s0 =	rddreg [dreg:$0x5];
	[sflag:s31] =	ssyncadd.s32 $0xFFFFA000  }
0x96: {  	[hbm4b:s0+s3] =	stream.linear.scatter [tilespmem:s6], [sflag:$0x3], $0x6000, $0x38;
	[tilespmem:$0xC400] =	vst v63  }
0x97: {  	_ =	swait.ge [sflag:s5], $0x6000  }
0x98: {  	[sflag:s5] =	ssyncset.done $0x0  }
0x99: {  	[sflag:s5] =	ssyncadd.s32 $0xFFFFA000  }
0x9a: {  	v3 =	vld [tilespmem:$0x100];
	_ =	sdelay $0x4  }
0x9b: {  	v40 =	vshll.u32 v3, $0x1  }
0x9c: {  	v3 =	vand.u32 $0x7, v3;
	v4 =	vand.u32 $0xFFFFFFF0, v40  }
0x9d: {  	v3 =	vor.u32 v3, v4  }
0x9e: {  	v4 =	vperm.xlane v3, v0;
	_ =	sdelay $0x1  }
0x9f: {  	v3 =	vperm.xlane v3, v2;
	v4 =	vadd.s32 v1, v4;
	_ =	sdelay $0x1  }
0xa0: {  	v3 =	vadd.s32 v1, v3;
	_ =	sdelay $0x2  }
0xa1: {  	[tilespmem:s6], [sflag:$0x1] =	stream.indirect_vreg.gather [hbm4b:s1+s3], $0x80, v4, vm0, $0xb8;
	[tilespmem:$0xC400] =	vst v63  }
0xa2: {  	_ = 	snop  }
0xa3: {  	[tilespmem:s7], [sflag:$0x1] =	stream.indirect_vreg.gather [hbm4b:s1+s3], $0x80, v3, vm0, $0xb8;
	[tilespmem:$0xC400] =	vst v63  }
0xa4: {  	v3 =	vld [tilespmem:$0x110];
	_ =	sdelay $0x4  }
0xa5: {  	v41 =	vshll.u32 v3, $0x1  }
0xa6: {  	v3 =	vand.u32 $0x7, v3;
	v4 =	vand.u32 $0xFFFFFFF0, v41  }
0xa7: {  	v3 =	vor.u32 v3, v4  }
0xa8: {  	v4 =	vperm.xlane v3, v0;
	_ =	sdelay $0x1  }
0xa9: {  	v3 =	vperm.xlane v3, v2;
	v4 =	vadd.s32 v1, v4;
	_ =	sdelay $0x1  }
0xaa: {  	v3 =	vadd.s32 v1, v3;
	_ =	sdelay $0x2  }
0xab: {  	[tilespmem:s8], [sflag:$0x1] =	stream.indirect_vreg.gather [hbm4b:s1+s3], $0x80, v4, vm0, $0xb8;
	[tilespmem:$0xC400] =	vst v63  }
0xac: {  	_ = 	snop  }
0xad: {  	[tilespmem:s9], [sflag:$0x1] =	stream.indirect_vreg.gather [hbm4b:s1+s3], $0x80, v3, vm0, $0xb8;
	[tilespmem:$0xC400] =	vst v63  }
0xae: {  	v3 =	vld [tilespmem:$0x120];
	_ =	sdelay $0x4  }
0xaf: {  	v42 =	vshll.u32 v3, $0x1  }
0xb0: {  	v3 =	vand.u32 $0x7, v3;
	v4 =	vand.u32 $0xFFFFFFF0, v42  }
0xb1: {  	v3 =	vor.u32 v3, v4  }
0xb2: {  	v4 =	vperm.xlane v3, v0;
	_ =	sdelay $0x1  }
0xb3: {  	v3 =	vperm.xlane v3, v2;
	v4 =	vadd.s32 v1, v4;
	_ =	sdelay $0x1  }
0xb4: {  	v3 =	vadd.s32 v1, v3;
	_ =	sdelay $0x2  }
0xb5: {  	[tilespmem:s10], [sflag:$0x1] =	stream.indirect_vreg.gather [hbm4b:s1+s3], $0x80, v4, vm0, $0xb8;
	[tilespmem:$0xC400] =	vst v63  }
0xb6: {  	_ = 	snop  }
0xb7: {  	[tilespmem:s11], [sflag:$0x1] =	stream.indirect_vreg.gather [hbm4b:s1+s3], $0x80, v3, vm0, $0xb8;
	[tilespmem:$0xC400] =	vst v63  }
0xb8: {  	v3 =	vld [tilespmem:$0x130];
	_ =	sdelay $0x4  }
0xb9: {  	v43 =	vshll.u32 v3, $0x1  }
0xba: {  	v3 =	vand.u32 $0x7, v3;
	v4 =	vand.u32 $0xFFFFFFF0, v43  }
0xbb: {  	v3 =	vor.u32 v3, v4  }
0xbc: {  	v4 =	vperm.xlane v3, v0;
	_ =	sdelay $0x1  }
0xbd: {  	v3 =	vperm.xlane v3, v2;
	v4 =	vadd.s32 v1, v4;
	_ =	sdelay $0x1  }
0xbe: {  	v3 =	vadd.s32 v1, v3;
	_ =	sdelay $0x2  }
0xbf: {  	[tilespmem:s12], [sflag:$0x1] =	stream.indirect_vreg.gather [hbm4b:s1+s3], $0x80, v4, vm0, $0xb8;
	[tilespmem:$0xC400] =	vst v63  }
0xc0: {  	_ = 	snop  }
0xc1: {  	[tilespmem:s13], [sflag:$0x1] =	stream.indirect_vreg.gather [hbm4b:s1+s3], $0x80, v3, vm0, $0xb8;
	[tilespmem:$0xC400] =	vst v63  }
0xc2: {  	v3 =	vld [tilespmem:$0x140];
	_ =	sdelay $0x4  }
0xc3: {  	v44 =	vshll.u32 v3, $0x1  }
0xc4: {  	v3 =	vand.u32 $0x7, v3;
	v4 =	vand.u32 $0xFFFFFFF0, v44  }
0xc5: {  	v3 =	vor.u32 v3, v4  }
0xc6: {  	v4 =	vperm.xlane v3, v0;
	_ =	sdelay $0x1  }
0xc7: {  	v3 =	vperm.xlane v3, v2;
	v4 =	vadd.s32 v1, v4;
	_ =	sdelay $0x1  }
0xc8: {  	v3 =	vadd.s32 v1, v3;
	_ =	sdelay $0x2  }
0xc9: {  	[tilespmem:s14], [sflag:$0x1] =	stream.indirect_vreg.gather [hbm4b:s1+s3], $0x80, v4, vm0, $0xb8;
	[tilespmem:$0xC400] =	vst v63  }
0xca: {  	_ = 	snop  }
0xcb: {  	[tilespmem:s15], [sflag:$0x1] =	stream.indirect_vreg.gather [hbm4b:s1+s3], $0x80, v3, vm0, $0xb8;
	[tilespmem:$0xC400] =	vst v63  }
0xcc: {  	v3 =	vld [tilespmem:$0x150];
	_ =	sdelay $0x4  }
0xcd: {  	v45 =	vshll.u32 v3, $0x1  }
0xce: {  	v3 =	vand.u32 $0x7, v3;
	v4 =	vand.u32 $0xFFFFFFF0, v45  }
0xcf: {  	v3 =	vor.u32 v3, v4  }
0xd0: {  	v4 =	vperm.xlane v3, v0;
	_ =	sdelay $0x1  }
0xd1: {  	v3 =	vperm.xlane v3, v2;
	v4 =	vadd.s32 v1, v4;
	_ =	sdelay $0x1  }
0xd2: {  	v3 =	vadd.s32 v1, v3;
	_ =	sdelay $0x2  }
0xd3: {  	[tilespmem:s16], [sflag:$0x1] =	stream.indirect_vreg.gather [hbm4b:s1+s3], $0x80, v4, vm0, $0xb8;
	[tilespmem:$0xC400] =	vst v63  }
0xd4: {  	_ = 	snop  }
0xd5: {  	[tilespmem:s17], [sflag:$0x1] =	stream.indirect_vreg.gather [hbm4b:s1+s3], $0x80, v3, vm0, $0xb8;
	[tilespmem:$0xC400] =	vst v63  }
0xd6: {  	_ =	swait.ge [sflag:s2], $0x6000  }
0xd7: {  	[sflag:s2] =	ssyncset.done $0x0  }
0xd8: {  	s0 =	rddreg [dreg:$0x6];
	[sflag:s2] =	ssyncadd.s32 $0xFFFFA000  }
0xd9: {  	[hbm4b:s0+s3] =	stream.linear.scatter [tilespmem:s18], [sflag:$0x3], $0x6000, $0x38;
	[tilespmem:$0xC400] =	vst v63  }
0xda: {  	_ =	swait.ge [sflag:s5], $0x6000  }
0xdb: {  	[sflag:s5] =	ssyncset.done $0x0  }
0xdc: {  	[sflag:s5] =	ssyncadd.s32 $0xFFFFA000  }
0xdd: {  	v3 =	vld [tilespmem:$0x180];
	_ =	sdelay $0x4  }
0xde: {  	v46 =	vshll.u32 v3, $0x1  }
0xdf: {  	v3 =	vand.u32 $0x7, v3;
	v4 =	vand.u32 $0xFFFFFFF0, v46  }
0xe0: {  	v3 =	vor.u32 v3, v4  }
0xe1: {  	v4 =	vperm.xlane v3, v0;
	_ =	sdelay $0x1  }
0xe2: {  	v3 =	vperm.xlane v3, v2;
	v4 =	vadd.s32 v1, v4;
	_ =	sdelay $0x1  }
0xe3: {  	v3 =	vadd.s32 v1, v3;
	_ =	sdelay $0x2  }
0xe4: {  	[tilespmem:s18], [sflag:$0x2] =	stream.indirect_vreg.gather [hbm4b:s1+s3], $0x80, v4, vm0, $0xb8;
	[tilespmem:$0xC400] =	vst v63  }
0xe5: {  	_ = 	snop  }
0xe6: {  	[tilespmem:s19], [sflag:$0x2] =	stream.indirect_vreg.gather [hbm4b:s1+s3], $0x80, v3, vm0, $0xb8;
	[tilespmem:$0xC400] =	vst v63  }
0xe7: {  	v3 =	vld [tilespmem:$0x190];
	_ =	sdelay $0x4  }
0xe8: {  	v47 =	vshll.u32 v3, $0x1  }
0xe9: {  	v3 =	vand.u32 $0x7, v3;
	v4 =	vand.u32 $0xFFFFFFF0, v47  }
0xea: {  	v3 =	vor.u32 v3, v4  }
0xeb: {  	v4 =	vperm.xlane v3, v0;
	_ =	sdelay $0x1  }
0xec: {  	v3 =	vperm.xlane v3, v2;
	v4 =	vadd.s32 v1, v4;
	_ =	sdelay $0x1  }
0xed: {  	v3 =	vadd.s32 v1, v3;
	_ =	sdelay $0x2  }
0xee: {  	[tilespmem:s20], [sflag:$0x2] =	stream.indirect_vreg.gather [hbm4b:s1+s3], $0x80, v4, vm0, $0xb8;
	[tilespmem:$0xC400] =	vst v63  }
0xef: {  	_ = 	snop  }
0xf0: {  	[tilespmem:s21], [sflag:$0x2] =	stream.indirect_vreg.gather [hbm4b:s1+s3], $0x80, v3, vm0, $0xb8;
	[tilespmem:$0xC400] =	vst v63  }
0xf1: {  	v3 =	vld [tilespmem:$0x1A0];
	_ =	sdelay $0x4  }
0xf2: {  	v48 =	vshll.u32 v3, $0x1  }
0xf3: {  	v3 =	vand.u32 $0x7, v3;
	v4 =	vand.u32 $0xFFFFFFF0, v48  }
0xf4: {  	v3 =	vor.u32 v3, v4  }
0xf5: {  	v4 =	vperm.xlane v3, v0;
	_ =	sdelay $0x1  }
0xf6: {  	v3 =	vperm.xlane v3, v2;
	v4 =	vadd.s32 v1, v4;
	_ =	sdelay $0x1  }
0xf7: {  	v3 =	vadd.s32 v1, v3;
	_ =	sdelay $0x2  }
0xf8: {  	[tilespmem:s22], [sflag:$0x2] =	stream.indirect_vreg.gather [hbm4b:s1+s3], $0x80, v4, vm0, $0xb8;
	[tilespmem:$0xC400] =	vst v63  }
0xf9: {  	_ = 	snop  }
0xfa: {  	[tilespmem:s23], [sflag:$0x2] =	stream.indirect_vreg.gather [hbm4b:s1+s3], $0x80, v3, vm0, $0xb8;
	[tilespmem:$0xC400] =	vst v63  }
0xfb: {  	v3 =	vld [tilespmem:$0x1B0];
	_ =	sdelay $0x4  }
0xfc: {  	v49 =	vshll.u32 v3, $0x1  }
0xfd: {  	v3 =	vand.u32 $0x7, v3;
	v4 =	vand.u32 $0xFFFFFFF0, v49  }
0xfe: {  	v3 =	vor.u32 v3, v4  }
0xff: {  	v4 =	vperm.xlane v3, v0;
	_ =	sdelay $0x1  }
0x100: {  	v3 =	vperm.xlane v3, v2;
	v4 =	vadd.s32 v1, v4;
	_ =	sdelay $0x1  }
0x101: {  	v3 =	vadd.s32 v1, v3;
	_ =	sdelay $0x2  }
0x102: {  	[tilespmem:s24], [sflag:$0x2] =	stream.indirect_vreg.gather [hbm4b:s1+s3], $0x80, v4, vm0, $0xb8;
	[tilespmem:$0xC400] =	vst v63  }
0x103: {  	_ = 	snop  }
0x104: {  	[tilespmem:s25], [sflag:$0x2] =	stream.indirect_vreg.gather [hbm4b:s1+s3], $0x80, v3, vm0, $0xb8;
	[tilespmem:$0xC400] =	vst v63  }
0x105: {  	v3 =	vld [tilespmem:$0x1C0];
	_ =	sdelay $0x4  }
0x106: {  	v50 =	vshll.u32 v3, $0x1  }
0x107: {  	v3 =	vand.u32 $0x7, v3;
	v4 =	vand.u32 $0xFFFFFFF0, v50  }
0x108: {  	v3 =	vor.u32 v3, v4  }
0x109: {  	v4 =	vperm.xlane v3, v0;
	_ =	sdelay $0x1  }
0x10a: {  	v3 =	vperm.xlane v3, v2;
	v4 =	vadd.s32 v1, v4;
	_ =	sdelay $0x1  }
0x10b: {  	v3 =	vadd.s32 v1, v3;
	_ =	sdelay $0x2  }
0x10c: {  	[tilespmem:s26], [sflag:$0x2] =	stream.indirect_vreg.gather [hbm4b:s1+s3], $0x80, v4, vm0, $0xb8;
	[tilespmem:$0xC400] =	vst v63  }
0x10d: {  	_ = 	snop  }
0x10e: {  	[tilespmem:s28], [sflag:$0x2] =	stream.indirect_vreg.gather [hbm4b:s1+s3], $0x80, v3, vm0, $0xb8;
	[tilespmem:$0xC400] =	vst v63  }
0x10f: {  	v3 =	vld [tilespmem:$0x1D0];
	_ =	sdelay $0x4  }
0x110: {  	v51 =	vshll.u32 v3, $0x1  }
0x111: {  	v3 =	vand.u32 $0x7, v3;
	v4 =	vand.u32 $0xFFFFFFF0, v51  }
0x112: {  	v3 =	vor.u32 v3, v4  }
0x113: {  	v4 =	vperm.xlane v3, v0;
	_ =	sdelay $0x1  }
0x114: {  	v3 =	vperm.xlane v3, v2;
	v4 =	vadd.s32 v1, v4;
	_ =	sdelay $0x1  }
0x115: {  	v3 =	vadd.s32 v1, v3;
	_ =	sdelay $0x2  }
0x116: {  	[tilespmem:s29], [sflag:$0x2] =	stream.indirect_vreg.gather [hbm4b:s1+s3], $0x80, v4, vm0, $0xb8;
	[tilespmem:$0xC400] =	vst v63  }
0x117: {  	_ = 	snop  }
0x118: {  	[tilespmem:s30], [sflag:$0x2] =	stream.indirect_vreg.gather [hbm4b:s1+s3], $0x80, v3, vm0, $0xb8;
	[tilespmem:$0xC400] =	vst v63  }
0x119: {  	_ =	swait.ge [sflag:s31], $0x6000  }
0x11a: {  	[sflag:s31] =	ssyncset.done $0x0  }
0x11b: {  	s0 =	rddreg [dreg:$0x7];
	[sflag:s31] =	ssyncadd.s32 $0xFFFFA000  }
0x11c: {  	[hbm4b:s0+s3] =	stream.linear.scatter [tilespmem:s6], [sflag:$0x3], $0x6000, $0x38;
	[tilespmem:$0xC400] =	vst v63  }
0x11d: {  	_ =	swait.ge [sflag:s5], $0x6000  }
0x11e: {  	[sflag:s5] =	ssyncset.done $0x0  }
0x11f: {  	[sflag:s5] =	ssyncadd.s32 $0xFFFFA000  }
0x120: {  	v3 =	vld [tilespmem:$0x200];
	_ =	sdelay $0x4  }
0x121: {  	v52 =	vshll.u32 v3, $0x1  }
0x122: {  	v3 =	vand.u32 $0x7, v3;
	v4 =	vand.u32 $0xFFFFFFF0, v52  }
0x123: {  	v3 =	vor.u32 v3, v4  }
0x124: {  	v4 =	vperm.xlane v3, v0;
	_ =	sdelay $0x1  }
0x125: {  	v3 =	vperm.xlane v3, v2;
	v4 =	vadd.s32 v1, v4;
	_ =	sdelay $0x1  }
0x126: {  	v3 =	vadd.s32 v1, v3;
	_ =	sdelay $0x2  }
0x127: {  	[tilespmem:s6], [sflag:$0x1] =	stream.indirect_vreg.gather [hbm4b:s1+s3], $0x80, v4, vm0, $0xb8;
	[tilespmem:$0xC400] =	vst v63  }
0x128: {  	_ = 	snop  }
0x129: {  	[tilespmem:s7], [sflag:$0x1] =	stream.indirect_vreg.gather [hbm4b:s1+s3], $0x80, v3, vm0, $0xb8;
	[tilespmem:$0xC400] =	vst v63  }
0x12a: {  	v3 =	vld [tilespmem:$0x210];
	_ =	sdelay $0x4  }
0x12b: {  	v53 =	vshll.u32 v3, $0x1  }
0x12c: {  	v3 =	vand.u32 $0x7, v3;
	v4 =	vand.u32 $0xFFFFFFF0, v53  }
0x12d: {  	v3 =	vor.u32 v3, v4  }
0x12e: {  	v4 =	vperm.xlane v3, v0;
	_ =	sdelay $0x1  }
0x12f: {  	v3 =	vperm.xlane v3, v2;
	v4 =	vadd.s32 v1, v4;
	_ =	sdelay $0x1  }
0x130: {  	v3 =	vadd.s32 v1, v3;
	_ =	sdelay $0x2  }
0x131: {  	[tilespmem:s8], [sflag:$0x1] =	stream.indirect_vreg.gather [hbm4b:s1+s3], $0x80, v4, vm0, $0xb8;
	[tilespmem:$0xC400] =	vst v63  }
0x132: {  	_ = 	snop  }
0x133: {  	[tilespmem:s9], [sflag:$0x1] =	stream.indirect_vreg.gather [hbm4b:s1+s3], $0x80, v3, vm0, $0xb8;
	[tilespmem:$0xC400] =	vst v63  }
0x134: {  	v3 =	vld [tilespmem:$0x220];
	_ =	sdelay $0x4  }
0x135: {  	v54 =	vshll.u32 v3, $0x1  }
0x136: {  	v3 =	vand.u32 $0x7, v3;
	v4 =	vand.u32 $0xFFFFFFF0, v54  }
0x137: {  	v3 =	vor.u32 v3, v4  }
0x138: {  	v4 =	vperm.xlane v3, v0;
	_ =	sdelay $0x1  }
0x139: {  	v3 =	vperm.xlane v3, v2;
	v4 =	vadd.s32 v1, v4;
	_ =	sdelay $0x1  }
0x13a: {  	v3 =	vadd.s32 v1, v3;
	_ =	sdelay $0x2  }
0x13b: {  	[tilespmem:s10], [sflag:$0x1] =	stream.indirect_vreg.gather [hbm4b:s1+s3], $0x80, v4, vm0, $0xb8;
	[tilespmem:$0xC400] =	vst v63  }
0x13c: {  	_ = 	snop  }
0x13d: {  	[tilespmem:s11], [sflag:$0x1] =	stream.indirect_vreg.gather [hbm4b:s1+s3], $0x80, v3, vm0, $0xb8;
	[tilespmem:$0xC400] =	vst v63  }
0x13e: {  	v3 =	vld [tilespmem:$0x230];
	_ =	sdelay $0x4  }
0x13f: {  	v55 =	vshll.u32 v3, $0x1  }
0x140: {  	v3 =	vand.u32 $0x7, v3;
	v4 =	vand.u32 $0xFFFFFFF0, v55  }
0x141: {  	v3 =	vor.u32 v3, v4  }
0x142: {  	v4 =	vperm.xlane v3, v0;
	_ =	sdelay $0x1  }
0x143: {  	v3 =	vperm.xlane v3, v2;
	v4 =	vadd.s32 v1, v4;
	_ =	sdelay $0x1  }
0x144: {  	v3 =	vadd.s32 v1, v3;
	_ =	sdelay $0x2  }
0x145: {  	[tilespmem:s12], [sflag:$0x1] =	stream.indirect_vreg.gather [hbm4b:s1+s3], $0x80, v4, vm0, $0xb8;
	[tilespmem:$0xC400] =	vst v63  }
0x146: {  	_ = 	snop  }
0x147: {  	[tilespmem:s13], [sflag:$0x1] =	stream.indirect_vreg.gather [hbm4b:s1+s3], $0x80, v3, vm0, $0xb8;
	[tilespmem:$0xC400] =	vst v63  }
0x148: {  	v3 =	vld [tilespmem:$0x240];
	_ =	sdelay $0x4  }
0x149: {  	v56 =	vshll.u32 v3, $0x1  }
0x14a: {  	v3 =	vand.u32 $0x7, v3;
	v4 =	vand.u32 $0xFFFFFFF0, v56  }
0x14b: {  	v3 =	vor.u32 v3, v4  }
0x14c: {  	v4 =	vperm.xlane v3, v0;
	_ =	sdelay $0x1  }
0x14d: {  	v3 =	vperm.xlane v3, v2;
	v4 =	vadd.s32 v1, v4;
	_ =	sdelay $0x1  }
0x14e: {  	v3 =	vadd.s32 v1, v3;
	_ =	sdelay $0x2  }
0x14f: {  	[tilespmem:s14], [sflag:$0x1] =	stream.indirect_vreg.gather [hbm4b:s1+s3], $0x80, v4, vm0, $0xb8;
	[tilespmem:$0xC400] =	vst v63  }
0x150: {  	_ = 	snop  }
0x151: {  	[tilespmem:s15], [sflag:$0x1] =	stream.indirect_vreg.gather [hbm4b:s1+s3], $0x80, v3, vm0, $0xb8;
	[tilespmem:$0xC400] =	vst v63  }
0x152: {  	v3 =	vld [tilespmem:$0x250];
	_ =	sdelay $0x4  }
0x153: {  	v57 =	vshll.u32 v3, $0x1  }
0x154: {  	v3 =	vand.u32 $0x7, v3;
	v4 =	vand.u32 $0xFFFFFFF0, v57  }
0x155: {  	v3 =	vor.u32 v3, v4  }
0x156: {  	v4 =	vperm.xlane v3, v0;
	_ =	sdelay $0x1  }
0x157: {  	v3 =	vperm.xlane v3, v2;
	v4 =	vadd.s32 v1, v4;
	_ =	sdelay $0x1  }
0x158: {  	v3 =	vadd.s32 v1, v3;
	_ =	sdelay $0x2  }
0x159: {  	[tilespmem:s16], [sflag:$0x1] =	stream.indirect_vreg.gather [hbm4b:s1+s3], $0x80, v4, vm0, $0xb8;
	[tilespmem:$0xC400] =	vst v63  }
0x15a: {  	_ = 	snop  }
0x15b: {  	[tilespmem:s17], [sflag:$0x1] =	stream.indirect_vreg.gather [hbm4b:s1+s3], $0x80, v3, vm0, $0xb8;
	[tilespmem:$0xC400] =	vst v63  }
0x15c: {  	_ =	swait.ge [sflag:s2], $0x6000  }
0x15d: {  	[sflag:s2] =	ssyncset.done $0x0  }
0x15e: {  	s0 =	rddreg [dreg:$0x8];
	[sflag:s2] =	ssyncadd.s32 $0xFFFFA000  }
0x15f: {  	[hbm4b:s0+s3] =	stream.linear.scatter [tilespmem:s18], [sflag:$0x3], $0x6000, $0x38;
	[tilespmem:$0xC400] =	vst v63  }
0x160: {  	_ =	swait.ge [sflag:s5], $0x6000  }
0x161: {  	[sflag:s5] =	ssyncset.done $0x0  }
0x162: {  	[sflag:s5] =	ssyncadd.s32 $0xFFFFA000  }
0x163: {  	v3 =	vld [tilespmem:$0x280];
	_ =	sdelay $0x4  }
0x164: {  	v58 =	vshll.u32 v3, $0x1  }
0x165: {  	v3 =	vand.u32 $0x7, v3;
	v4 =	vand.u32 $0xFFFFFFF0, v58  }
0x166: {  	v3 =	vor.u32 v3, v4  }
0x167: {  	v4 =	vperm.xlane v3, v0;
	_ =	sdelay $0x1  }
0x168: {  	v3 =	vperm.xlane v3, v2;
	v4 =	vadd.s32 v1, v4;
	_ =	sdelay $0x1  }
0x169: {  	v3 =	vadd.s32 v1, v3;
	_ =	sdelay $0x2  }
0x16a: {  	[tilespmem:s18], [sflag:$0x2] =	stream.indirect_vreg.gather [hbm4b:s1+s3], $0x80, v4, vm0, $0xb8;
	[tilespmem:$0xC400] =	vst v63  }
0x16b: {  	_ = 	snop  }
0x16c: {  	[tilespmem:s19], [sflag:$0x2] =	stream.indirect_vreg.gather [hbm4b:s1+s3], $0x80, v3, vm0, $0xb8;
	[tilespmem:$0xC400] =	vst v63  }
0x16d: {  	v3 =	vld [tilespmem:$0x290];
	_ =	sdelay $0x4  }
0x16e: {  	v59 =	vshll.u32 v3, $0x1  }
0x16f: {  	v3 =	vand.u32 $0x7, v3;
	v4 =	vand.u32 $0xFFFFFFF0, v59  }
0x170: {  	v3 =	vor.u32 v3, v4  }
0x171: {  	v4 =	vperm.xlane v3, v0;
	_ =	sdelay $0x1  }
0x172: {  	v3 =	vperm.xlane v3, v2;
	v4 =	vadd.s32 v1, v4;
	_ =	sdelay $0x1  }
0x173: {  	v3 =	vadd.s32 v1, v3;
	_ =	sdelay $0x2  }
0x174: {  	[tilespmem:s20], [sflag:$0x2] =	stream.indirect_vreg.gather [hbm4b:s1+s3], $0x80, v4, vm0, $0xb8;
	[tilespmem:$0xC400] =	vst v63  }
0x175: {  	_ = 	snop  }
0x176: {  	[tilespmem:s21], [sflag:$0x2] =	stream.indirect_vreg.gather [hbm4b:s1+s3], $0x80, v3, vm0, $0xb8;
	[tilespmem:$0xC400] =	vst v63  }
0x177: {  	v3 =	vld [tilespmem:$0x2A0];
	_ =	sdelay $0x4  }
0x178: {  	v60 =	vshll.u32 v3, $0x1  }
0x179: {  	v3 =	vand.u32 $0x7, v3;
	v4 =	vand.u32 $0xFFFFFFF0, v60  }
0x17a: {  	v3 =	vor.u32 v3, v4  }
0x17b: {  	v4 =	vperm.xlane v3, v0;
	_ =	sdelay $0x1  }
0x17c: {  	v3 =	vperm.xlane v3, v2;
	v4 =	vadd.s32 v1, v4;
	_ =	sdelay $0x1  }
0x17d: {  	v3 =	vadd.s32 v1, v3;
	_ =	sdelay $0x2  }
0x17e: {  	[tilespmem:s22], [sflag:$0x2] =	stream.indirect_vreg.gather [hbm4b:s1+s3], $0x80, v4, vm0, $0xb8;
	[tilespmem:$0xC400] =	vst v63  }
0x17f: {  	_ = 	snop  }
0x180: {  	[tilespmem:s23], [sflag:$0x2] =	stream.indirect_vreg.gather [hbm4b:s1+s3], $0x80, v3, vm0, $0xb8;
	[tilespmem:$0xC400] =	vst v63  }
0x181: {  	v3 =	vld [tilespmem:$0x2B0];
	_ =	sdelay $0x4  }
0x182: {  	v61 =	vshll.u32 v3, $0x1  }
0x183: {  	v3 =	vand.u32 $0x7, v3;
	v4 =	vand.u32 $0xFFFFFFF0, v61  }
0x184: {  	v3 =	vor.u32 v3, v4  }
0x185: {  	v4 =	vperm.xlane v3, v0;
	_ =	sdelay $0x1  }
0x186: {  	v3 =	vperm.xlane v3, v2;
	v4 =	vadd.s32 v1, v4;
	_ =	sdelay $0x1  }
0x187: {  	v3 =	vadd.s32 v1, v3;
	_ =	sdelay $0x2  }
0x188: {  	[tilespmem:s24], [sflag:$0x2] =	stream.indirect_vreg.gather [hbm4b:s1+s3], $0x80, v4, vm0, $0xb8;
	[tilespmem:$0xC400] =	vst v63  }
0x189: {  	_ = 	snop  }
0x18a: {  	[tilespmem:s25], [sflag:$0x2] =	stream.indirect_vreg.gather [hbm4b:s1+s3], $0x80, v3, vm0, $0xb8;
	[tilespmem:$0xC400] =	vst v63  }
0x18b: {  	v3 =	vld [tilespmem:$0x2C0];
	_ =	sdelay $0x4  }
0x18c: {  	v62 =	vshll.u32 v3, $0x1  }
0x18d: {  	v3 =	vand.u32 $0x7, v3;
	v4 =	vand.u32 $0xFFFFFFF0, v62  }
0x18e: {  	v3 =	vor.u32 v3, v4  }
0x18f: {  	v4 =	vperm.xlane v3, v0;
	_ =	sdelay $0x1  }
0x190: {  	v3 =	vperm.xlane v3, v2;
	v4 =	vadd.s32 v1, v4;
	_ =	sdelay $0x1  }
0x191: {  	v3 =	vadd.s32 v1, v3;
	_ =	sdelay $0x2  }
0x192: {  	[tilespmem:s26], [sflag:$0x2] =	stream.indirect_vreg.gather [hbm4b:s1+s3], $0x80, v4, vm0, $0xb8;
	[tilespmem:$0xC400] =	vst v63  }
0x193: {  	_ = 	snop  }
0x194: {  	[tilespmem:s28], [sflag:$0x2] =	stream.indirect_vreg.gather [hbm4b:s1+s3], $0x80, v3, vm0, $0xb8;
	[tilespmem:$0xC400] =	vst v63  }
0x195: {  	v3 =	vld [tilespmem:$0x2D0];
	_ =	sdelay $0x4  }
0x196: {  	v63 =	vshll.u32 v3, $0x1  }
0x197: {  	v3 =	vand.u32 $0x7, v3;
	v4 =	vand.u32 $0xFFFFFFF0, v63  }
0x198: {  	v3 =	vor.u32 v3, v4  }
0x199: {  	v4 =	vperm.xlane v3, v0;
	_ =	sdelay $0x1  }
0x19a: {  	v3 =	vperm.xlane v3, v2;
	v4 =	vadd.s32 v1, v4;
	_ =	sdelay $0x1  }
0x19b: {  	v3 =	vadd.s32 v1, v3;
	_ =	sdelay $0x2  }
0x19c: {  	[tilespmem:s29], [sflag:$0x2] =	stream.indirect_vreg.gather [hbm4b:s1+s3], $0x80, v4, vm0, $0xb8;
	[tilespmem:$0xC400] =	vst v63  }
0x19d: {  	_ = 	snop  }
0x19e: {  	[tilespmem:s30], [sflag:$0x2] =	stream.indirect_vreg.gather [hbm4b:s1+s3], $0x80, v3, vm0, $0xb8;
	[tilespmem:$0xC400] =	vst v63  }
0x19f: {  	_ =	swait.ge [sflag:s31], $0x6000  }
0x1a0: {  	[sflag:s31] =	ssyncset.done $0x0  }
0x1a1: {  	s0 =	rddreg [dreg:$0x9];
	[sflag:s31] =	ssyncadd.s32 $0xFFFFA000  }
0x1a2: {  	[hbm4b:s0+s3] =	stream.linear.scatter [tilespmem:s6], [sflag:$0x3], $0x6000, $0x38;
	[tilespmem:$0xC400] =	vst v63  }
0x1a3: {  	_ =	swait.ge [sflag:s5], $0x6000  }
0x1a4: {  	[sflag:s5] =	ssyncset.done $0x0  }
0x1a5: {  	[sflag:s5] =	ssyncadd.s32 $0xFFFFA000  }
0x1a6: {  	_ =	swait.ge [sflag:s2], $0x6000  }
0x1a7: {  	p0 =	sne.s32 s4, $0x1;
	[sflag:s2] =	ssyncset.done $0x0  }
.Ltmp0:
0x1a8: {  	s0 =	rddreg [dreg:$0xa];
	[sflag:s2] =	ssyncadd.s32 $0xFFFFA000;
	(pc) =	sbr.rel @p0 .LBB2_1-.Ltmp0, $4  }
0x1a9: {  	[hbm4b:s0+s3] =	stream.linear.scatter [tilespmem:s18], [sflag:$0x3], $0x6000, $0x38;
	[tilespmem:$0xC400] =	vst v63  }
0x1aa: {  	_ =	swait.ge [sflag:s5], $0x6000  }
0x1ab: {  	[sflag:s5] =	ssyncset.done $0x0  }
0x1ac: {  	s4 =	sadd.s32 $0xFFFFFFFF, s4;
	[sflag:s5] =	ssyncadd.s32 $0xFFFFA000  }
0x1ad: {  	_ =	sfence.sel $0x180000  }
0x1ae: {  	[bflag:$0x0] =	sbarrier.arrive $0xFFFF  }
0x1af: {  	_ =	strace $0x90000047  }
0x1b0: {  	s0 =	stileid.u32;
	[bflag:$0x2] =	sbarrier.arrive $0xFFFF  }
0x1b1: {  	p0 =	sne.s32 s0, $0x0;
	s0 =	rddreg [dreg:$0x3]  }
0x1b2: {  	s0 =	sadd.s32 @!p0 $0x100000, s0  }
0x1b3: {  	[sflag:s0] =	ssyncadd.tile.s32 @!p0 $0x1;
	_ =	shalt  }
.Lfunc_end2:
_tile_overlayer_lowered:
.L_overlay_start_2:
0x1b4: {  	(tag) =	ssettag $0x2  }
0x1b5: {  	s0 =	rddreg [dreg:$0x0];
	s2 =	stileid.u32  }
0x1b6: {  	s1 =	rddreg [dreg:$0x1];
	p0 =	sne.s32 s2, $0x0  }
0x1b7: {  	s3 =	rddreg [dreg:$0x2];
	[bflag:$0x3] =	sbarrier.arrive $0xFFFF;
	s2 =	simm.s32 @!p0 $0x1C03  }
0x1b8: {  	[timem:s3], [sflag:s2] =	dma.local @!p0 [hbm:s0], s1  }
0x1b9: {  	s0 =	simm.s32 @!p0 $0x3  }
0x1ba: {  	_ =	swait.ge @!p0 [sflag:s0], s1  }
0x1bb: {  	s1 =	ssub.s32 @!p0 $0x0, s1;
	[sflag:s0] =	ssyncset.done @!p0 $0x0  }
0x1bc: {  	[sflag:s0] =	ssyncadd.s32 @!p0 s1  }
0x1bd: {  	[bflag:$0x3] =	sbarrier.arrive $0xFFFF  }
0x1be: {  	_ =	shalt  }

</sc_bundles>
